<compile_context>
chip_gen: v7x
topology: tpu7x:2x2x1
jax: 0.10.2.dev20260603
libtpu: 0.0.44.dev20260713+nightly
codegen_flags: <defaults>
</compile_context>

<pallas_src>
import jax
import jax.numpy as jnp
from jax import lax
from jax.experimental import pallas as pl

_B, _N, _CAM_C, _OUT_C = 2, 6, 512, 80
_FH, _FW = 16, 44
_P = _FH * _FW
_D = 59
_DP = 64
_NG = 128
_VOX = _NG * _NG
_BN = _B * _N
_PIX = _BN * _P


def _tc_body(xt_ref, wd_ref, wc_ref, bd_ref, bc_ref, geo_ref, uv_ref, dv_ref,
             depth_ref, ctx_ref, rank_ref):
    xt = xt_ref[0]
    yd = lax.dot_general(xt, wd_ref[...], (((1,), (0,)), ((), ())),
                         preferred_element_type=jnp.float32) + bd_ref[...]
    yc = lax.dot_general(xt, wc_ref[...], (((1,), (0,)), ((), ())),
                         preferred_element_type=jnp.float32) + bc_ref[...]
    m = jnp.max(yd, axis=1, keepdims=True)
    e = jnp.exp(yd - m)
    depth_ref[0] = e / jnp.sum(e, axis=1, keepdims=True)
    ctx_ref[0] = yc
    u = uv_ref[:, 0:1]
    v = uv_ref[:, 1:2]
    dv = dv_ref[...]
    g = geo_ref[...]

    def _bf(z):
        return z.astype(jnp.bfloat16).astype(jnp.float32)

    ud = _bf(u * dv)
    vd = _bf(v * dv)
    dvb = _bf(jnp.broadcast_to(dv, ud.shape))

    def _coord(r):
        return (_bf(g[0, 0, 3 * r]) * ud + _bf(g[0, 0, 3 * r + 1]) * vd
                + _bf(g[0, 0, 3 * r + 2]) * dvb) + g[0, 0, 9 + r]

    gx = ((_coord(0) - (-51.2)) / 0.8).astype(jnp.int32)
    gy = ((_coord(1) - (-51.2)) / 0.8).astype(jnp.int32)
    gz = ((_coord(2) - (-5.0)) / 8.0).astype(jnp.int32)
    kept = ((gx >= 0) & (gx < _NG) & (gy >= 0) & (gy < _NG)
            & (gz >= 0) & (gz < 1))
    kept &= lax.broadcasted_iota(jnp.int32, (_P, _DP), 1) < _D
    rank_ref[0] = jnp.where(kept, gx + gy * _NG, _VOX)


def _tc_call(xt, wd, wc, bd, bc, geo, uv, dv):
    return pl.pallas_call(
        _tc_body,
        grid=(_BN,),
        in_specs=[
            pl.BlockSpec((1, _P, _CAM_C), lambda i: (i, 0, 0)),
            pl.BlockSpec((_CAM_C, _DP), lambda i: (0, 0)),
            pl.BlockSpec((_CAM_C, _OUT_C), lambda i: (0, 0)),
            pl.BlockSpec((1, _DP), lambda i: (0, 0)),
            pl.BlockSpec((1, _OUT_C), lambda i: (0, 0)),
            pl.BlockSpec((1, 1, 16), lambda i: (i, 0, 0)),
            pl.BlockSpec((_P, 2), lambda i: (0, 0)),
            pl.BlockSpec((1, _DP), lambda i: (0, 0)),
        ],
        out_specs=[
            pl.BlockSpec((1, _P, _DP), lambda i: (i, 0, 0)),
            pl.BlockSpec((1, _P, _OUT_C), lambda i: (i, 0, 0)),
            pl.BlockSpec((1, _P, _DP), lambda i: (i, 0, 0)),
        ],
        out_shape=[
            jax.ShapeDtypeStruct((_BN, _P, _DP), jnp.float32),
            jax.ShapeDtypeStruct((_BN, _P, _OUT_C), jnp.float32),
            jax.ShapeDtypeStruct((_BN, _P, _DP), jnp.int32),
        ],
    )(xt, wd, wc, bd, bc, geo, uv, dv)


def kernel(x, rots, trans, intrins, W_depth, b_depth):
    xt = x.reshape(_BN, _CAM_C, _P).transpose(0, 2, 1).astype(jnp.bfloat16)
    wd = (jnp.zeros((_CAM_C, _DP), jnp.float32).at[:, :_D]
          .set(W_depth[:_D].T).astype(jnp.bfloat16))
    wc = W_depth[_D:].T.astype(jnp.bfloat16)
    bd = jnp.full((1, _DP), -1e30, jnp.float32).at[0, :_D].set(b_depth[:_D])
    bc = b_depth[_D:].reshape(1, _OUT_C)
    comb = jnp.matmul(rots, jnp.linalg.inv(intrins)).reshape(_BN, 9)
    geo = jnp.concatenate(
        [comb, trans.reshape(_BN, 3), jnp.zeros((_BN, 4), jnp.float32)],
        1).reshape(_BN, 1, 16)
    xs = jnp.linspace(0.0, 704.0 - 1.0, _FW, dtype=jnp.float32)
    ys = jnp.linspace(0.0, 256.0 - 1.0, _FH, dtype=jnp.float32)
    u = jnp.broadcast_to(xs[None, :], (_FH, _FW)).reshape(_P)
    v = jnp.broadcast_to(ys[:, None], (_FH, _FW)).reshape(_P)
    uv = jnp.stack([u, v], axis=1)
    dv = jnp.concatenate(
        [jnp.arange(1.0, 60.0, 1.0, dtype=jnp.float32),
         jnp.ones((_DP - _D,), jnp.float32)]).reshape(1, _DP)

    depth, ctx, rank = _tc_call(xt, wd, wc, bd, bc, geo, uv, dv)
    depth = depth[:, :, :_D].reshape(_B, _N * _P, _D)
    rank = rank[:, :, :_D].reshape(_B, _N * _P, _D)
    ctx = ctx.reshape(_B, _N * _P, _OUT_C)
    boff = jnp.arange(_B, dtype=jnp.int32).reshape(_B, 1, 1) * _VOX
    grank = jnp.where(rank < _VOX, rank + boff, _B * _VOX)
    feats = depth[:, :, :, None] * ctx[:, :, None, :]
    bev = (jnp.zeros((_B * _VOX + 1, _OUT_C), jnp.float32)
           .at[grank.reshape(-1)].add(feats.reshape(-1, _OUT_C))[:_B * _VOX])
    return bev.reshape(_B, _NG, _NG, _OUT_C).transpose(0, 3, 1, 2)

# --- scband reference (transcript-rebuilt; emitter-appended) ---
"""Pipeline reference for scband-lssview-transformer-81372450390073 (READ-ONLY COPY).

The authoritative reference and input builder live on the scoring server;
editing this copy changes nothing except your own understanding.
"""

import jax, jax.numpy as jnp
import numpy as np

B, N, CAM_C, OUT_C = 2, 6, 512, 80
IMG_H, IMG_W = 256, 704
DS = 16
FH, FW = IMG_H // DS, IMG_W // DS
D_MIN, D_MAX, D_STEP = 1.0, 60.0, 1.0
D = int((D_MAX - D_MIN) / D_STEP)
XB = (-51.2, 51.2, 0.8); YB = (-51.2, 51.2, 0.8); ZB = (-5.0, 3.0, 8.0)
DX = jnp.array([XB[2], YB[2], ZB[2]], jnp.float32)
BX = jnp.array([XB[0] + XB[2] / 2.0, YB[0] + YB[2] / 2.0, ZB[0] + ZB[2] / 2.0], jnp.float32)
NXI, NYI, NZI = 128, 128, 1


def make_frustum():
    ds = jnp.broadcast_to(jnp.arange(D_MIN, D_MAX, D_STEP, dtype=jnp.float32).reshape(D, 1, 1), (D, FH, FW))
    xs = jnp.broadcast_to(jnp.linspace(0.0, IMG_W - 1.0, FW, dtype=jnp.float32).reshape(1, 1, FW), (D, FH, FW))
    ys = jnp.broadcast_to(jnp.linspace(0.0, IMG_H - 1.0, FH, dtype=jnp.float32).reshape(1, FH, 1), (D, FH, FW))
    return jnp.stack([xs, ys, ds], axis=-1)


def setup_inputs(seed: int = 0):
    key = jax.random.key(seed)
    ks = jax.random.split(key, 6)
    x = jax.random.normal(ks[0], (B, N, CAM_C, FH, FW), jnp.float32)
    rots = jnp.broadcast_to(jnp.eye(3, dtype=jnp.float32), (B, N, 3, 3)) + 0.05 * jax.random.normal(ks[1], (B, N, 3, 3), jnp.float32)
    trans = 2.0 * jax.random.uniform(ks[2], (B, N, 3), dtype=jnp.float32) - 1.0
    fx = 500.0 + 100.0 * jax.random.uniform(ks[3], (B, N), dtype=jnp.float32)
    z = jnp.zeros((B, N), jnp.float32); o = jnp.ones((B, N), jnp.float32)
    cx = o * (IMG_W / 2.0); cy = o * (IMG_H / 2.0)
    row0 = jnp.stack([fx, z, cx], -1); row1 = jnp.stack([z, fx, cy], -1); row2 = jnp.stack([z, z, o], -1)
    intrins = jnp.stack([row0, row1, row2], -2)
    W_depth = 0.05 * jax.random.normal(ks[4], (D + OUT_C, CAM_C), jnp.float32)
    b_depth = jnp.zeros((D + OUT_C,), jnp.float32)
    return {"x": x, "rots": rots, "trans": trans, "intrins": intrins, "W_depth": W_depth, "b_depth": b_depth}


def reference(x, rots, trans, intrins, W_depth, b_depth):
    Bn = B * N
    xf = x.reshape(Bn, CAM_C, FH, FW)
    # 1x1 conv == per-pixel matmul
    y = jnp.einsum('bchw,oc->bohw', xf, W_depth) + b_depth[None, :, None, None]
    depth = jax.nn.softmax(y[:, :D], axis=1)
    ctx = y[:, D:]
    outer = ctx[:, :, None, :, :] * depth[:, None, :, :, :]  # (BN, C, D, H, W)
    outer = outer.reshape(B, N, OUT_C, D, FH, FW).transpose(0, 1, 3, 4, 5, 2)  # (B,N,D,H,W,C)
    # geometry
    fr = make_frustum()
    pts = jnp.broadcast_to(fr[None, None], (B, N, D, FH, FW, 3))
    pts = jnp.concatenate([pts[..., :2] * pts[..., 2:3], pts[..., 2:3]], axis=-1)
    comb = jnp.matmul(rots, jnp.linalg.inv(intrins))
    pts = jnp.einsum('bnij,bndhwj->bndhwi', comb, pts) + trans[:, :, None, None, None, :]
    # voxel pooling (segment-sum scatter into BEV grid; math-equivalent to the
    # torch sort+cumsum trick followed by overwrite of per-voxel sums)
    Np = B * N * D * FH * FW
    feats = outer.reshape(Np, OUT_C)
    geom = pts.reshape(Np, 3)
    gidx = ((geom - (BX - DX / 2.0)) / DX).astype(jnp.int32)  # trunc-toward-zero matches torch .long()
    kept = (gidx[:, 0] >= 0) & (gidx[:, 0] < NXI) & (gidx[:, 1] >= 0) & (gidx[:, 1] < NYI) & (gidx[:, 2] >= 0) & (gidx[:, 2] < NZI)
    batch_ix = jnp.repeat(jnp.arange(B, dtype=jnp.int32), N * D * FH * FW)
    flat_size = B * NZI * NYI * NXI
    ranks = batch_ix * (NXI * NYI * NZI) + gidx[:, 0] + gidx[:, 1] * NXI + gidx[:, 2] * (NXI * NYI)
    ranks = jnp.where(kept, ranks, flat_size)  # dropped points routed to dummy slot
    feats = jnp.where(kept[:, None], feats, 0.0)
    bev = jnp.zeros((flat_size + 1, OUT_C), jnp.float32).at[ranks].add(feats)[:flat_size]
    bev = bev.reshape(B, NZI, NYI, NXI, OUT_C).transpose(0, 4, 1, 2, 3).sum(axis=2)
    return bev  # (B, OUT_C, NYI, NXI) = (2, 80, 128, 128)

if __name__ == "__main__":
    import jax
    _d = setup_inputs()
    print(jax.jit(kernel)(*tuple(_d.values())))

</pallas_src>

<mosaic_0001>
module attributes {stable_mosaic.version = 14 : i64} {
  func.func @_tc_body(%arg0: i32, %arg1: memref<1x704x512xbf16, #tpu.memory_space<vmem>>, %arg2: memref<512x64xbf16, #tpu.memory_space<vmem>>, %arg3: memref<512x80xbf16, #tpu.memory_space<vmem>>, %arg4: memref<1x64xf32, #tpu.memory_space<vmem>>, %arg5: memref<1x80xf32, #tpu.memory_space<vmem>>, %arg6: memref<1x1x16xf32, #tpu.memory_space<vmem>>, %arg7: memref<704x2xf32, #tpu.memory_space<vmem>>, %arg8: memref<1x64xf32, #tpu.memory_space<vmem>>, %arg9: memref<1x704x64xf32, #tpu.memory_space<vmem>>, %arg10: memref<1x704x80xf32, #tpu.memory_space<vmem>>, %arg11: memref<1x704x64xi32, #tpu.memory_space<vmem>>) attributes {dimension_semantics = [#tpu.dimension_semantics<arbitrary>], iteration_bounds = array<i64: 12>, scalar_prefetch = 0 : i64, scratch_operands = 0 : i64, tpu.core_type = #tpu.core_type<tc>, window_params = [{transform_indices = @transform_0, window_bounds = array<i64: 1, 704, 512>}, {pipeline_mode = #tpu.pipeline_mode<synchronous>, transform_indices = @transform_1, window_bounds = array<i64: 512, 64>}, {pipeline_mode = #tpu.pipeline_mode<synchronous>, transform_indices = @transform_2, window_bounds = array<i64: 512, 80>}, {pipeline_mode = #tpu.pipeline_mode<synchronous>, transform_indices = @transform_3, window_bounds = array<i64: 1, 64>}, {pipeline_mode = #tpu.pipeline_mode<synchronous>, transform_indices = @transform_4, window_bounds = array<i64: 1, 80>}, {transform_indices = @transform_5, window_bounds = array<i64: 1, 1, 16>}, {pipeline_mode = #tpu.pipeline_mode<synchronous>, transform_indices = @transform_6, window_bounds = array<i64: 704, 2>}, {pipeline_mode = #tpu.pipeline_mode<synchronous>, transform_indices = @transform_7, window_bounds = array<i64: 1, 64>}, {transform_indices = @transform_8, window_bounds = array<i64: 1, 704, 64>}, {transform_indices = @transform_9, window_bounds = array<i64: 1, 704, 80>}, {transform_indices = @transform_10, window_bounds = array<i64: 1, 704, 64>}]} {
    %get3A = arith.constant 0 : index
    %get3A_0 = arith.constant 0 : index
    %get3A_1 = arith.constant 0 : index
    %get3A_2 = vector.load %arg1[%get3A, %get3A_0, %get3A_1] : memref<1x704x512xbf16, #tpu.memory_space<vmem>>, vector<1x704x512xbf16>
    %get3A_3 = vector.shape_cast %get3A_2 : vector<1x704x512xbf16> to vector<704x512xbf16>
    %get3A_4 = arith.constant 0 : index
    %get3A_5 = arith.constant 0 : index
    %get3A_6 = vector.load %arg2[%get3A_4, %get3A_5] : memref<512x64xbf16, #tpu.memory_space<vmem>>, vector<512x64xbf16>
    %dot_general3A = arith.constant dense<0.000000e+00> : vector<704x64xf32>
    %dot_general3A_7 = tpu.matmul %get3A_3, %get3A_6, %dot_general3A {dimension_numbers = #tpu.dot_dimension_numbers<[1], [0], [0], [1], [0, 0, 1, 1], [], []>, transpose_lhs_hint = false} : vector<704x512xbf16>, vector<512x64xbf16>, vector<704x64xf32> -> vector<704x64xf32>
    %get3A_8 = arith.constant 0 : index
    %get3A_9 = arith.constant 0 : index
    %get3A_10 = vector.load %arg4[%get3A_8, %get3A_9] : memref<1x64xf32, #tpu.memory_space<vmem>>, vector<1x64xf32>
    %add3A = vector.broadcast %get3A_10 : vector<1x64xf32> to vector<704x64xf32>
    %add3A_11 = arith.addf %dot_general3A_7, %add3A : vector<704x64xf32>
    %get3A_12 = arith.constant 0 : index
    %get3A_13 = arith.constant 0 : index
    %get3A_14 = vector.load %arg3[%get3A_12, %get3A_13] : memref<512x80xbf16, #tpu.memory_space<vmem>>, vector<512x80xbf16>
    %dot_general3A_15 = arith.constant dense<0.000000e+00> : vector<704x80xf32>
    %dot_general3A_16 = tpu.matmul %get3A_3, %get3A_14, %dot_general3A_15 {dimension_numbers = #tpu.dot_dimension_numbers<[1], [0], [0], [1], [0, 0, 1, 1], [], []>, transpose_lhs_hint = false} : vector<704x512xbf16>, vector<512x80xbf16>, vector<704x80xf32> -> vector<704x80xf32>
    %get3A_17 = arith.constant 0 : index
    %get3A_18 = arith.constant 0 : index
    %get3A_19 = vector.load %arg5[%get3A_17, %get3A_18] : memref<1x80xf32, #tpu.memory_space<vmem>>, vector<1x80xf32>
    %add3A_20 = vector.broadcast %get3A_19 : vector<1x80xf32> to vector<704x80xf32>
    %add3A_21 = arith.addf %dot_general3A_16, %add3A_20 : vector<704x80xf32>
    %reduce_max3A = arith.constant dense<0xFF800000> : vector<704xf32>
    %reduce_max3A_22 = vector.multi_reduction <maximumf>, %add3A_11, %reduce_max3A [1] : vector<704x64xf32> to vector<704xf32>
    %broadcast_in_dim3A = vector.shape_cast %reduce_max3A_22 : vector<704xf32> to vector<704x1xf32>
    %sub3A = vector.broadcast %broadcast_in_dim3A : vector<704x1xf32> to vector<704x64xf32>
    %sub3A_23 = arith.subf %add3A_11, %sub3A : vector<704x64xf32>
    %exp3A = math.exp %sub3A_23 : vector<704x64xf32>
    %reduce_sum3A = arith.constant dense<0.000000e+00> : vector<704xf32>
    %reduce_sum3A_24 = vector.multi_reduction <add>, %exp3A, %reduce_sum3A [1] : vector<704x64xf32> to vector<704xf32>
    %broadcast_in_dim3A_25 = vector.shape_cast %reduce_sum3A_24 : vector<704xf32> to vector<704x1xf32>
    %div3A = vector.broadcast %broadcast_in_dim3A_25 : vector<704x1xf32> to vector<704x64xf32>
    %div3A_26 = arith.divf %exp3A, %div3A : vector<704x64xf32>
    %swap3A = arith.constant 0 : index
    %swap3A_27 = arith.constant 0 : index
    %swap3A_28 = arith.constant 0 : index
    %swap3A_29 = vector.load %arg9[%swap3A, %swap3A_27, %swap3A_28] : memref<1x704x64xf32, #tpu.memory_space<vmem>>, vector<1x704x64xf32>
    %swap3A_30 = vector.shape_cast %swap3A_29 : vector<1x704x64xf32> to vector<704x64xf32>
    %swap3A_31 = vector.shape_cast %div3A_26 : vector<704x64xf32> to vector<1x704x64xf32>
    tpu.vector_store %arg9[%swap3A, %swap3A_27, %swap3A_28], %swap3A_31 {strides = array<i32>} : memref<1x704x64xf32, #tpu.memory_space<vmem>>, vector<1x704x64xf32>,
    %swap3A_32 = arith.constant 0 : index
    %swap3A_33 = arith.constant 0 : index
    %swap3A_34 = arith.constant 0 : index
    %swap3A_35 = vector.load %arg10[%swap3A_32, %swap3A_33, %swap3A_34] : memref<1x704x80xf32, #tpu.memory_space<vmem>>, vector<1x704x80xf32>
    %swap3A_36 = vector.shape_cast %swap3A_35 : vector<1x704x80xf32> to vector<704x80xf32>
    %swap3A_37 = vector.shape_cast %add3A_21 : vector<704x80xf32> to vector<1x704x80xf32>
    tpu.vector_store %arg10[%swap3A_32, %swap3A_33, %swap3A_34], %swap3A_37 {strides = array<i32>} : memref<1x704x80xf32, #tpu.memory_space<vmem>>, vector<1x704x80xf32>,
    %get3A_38 = arith.constant 0 : index
    %get3A_39 = arith.constant 0 : index
    %get3A_40 = vector.load %arg7[%get3A_38, %get3A_39] : memref<704x2xf32, #tpu.memory_space<vmem>>, vector<704x1xf32>
    %get3A_41 = arith.constant 0 : index
    %get3A_42 = arith.constant 1 : index
    %get3A_43 = vector.load %arg7[%get3A_41, %get3A_42] : memref<704x2xf32, #tpu.memory_space<vmem>>, vector<704x1xf32>
    %get3A_44 = arith.constant 0 : index
    %get3A_45 = arith.constant 0 : index
    %get3A_46 = vector.load %arg8[%get3A_44, %get3A_45] : memref<1x64xf32, #tpu.memory_space<vmem>>, vector<1x64xf32>
    %get3A_47 = arith.constant 0 : index
    %get3A_48 = arith.constant 0 : index
    %get3A_49 = arith.constant 0 : index
    %get3A_50 = vector.load %arg6[%get3A_47, %get3A_48, %get3A_49] : memref<1x1x16xf32, #tpu.memory_space<vmem>>, vector<1x1x16xf32>
    %mul3A = vector.broadcast %get3A_40 : vector<704x1xf32> to vector<704x64xf32>
    %mul3A_51 = vector.broadcast %get3A_46 : vector<1x64xf32> to vector<704x64xf32>
    %mul3A_52 = arith.mulf %mul3A, %mul3A_51 : vector<704x64xf32>
    %convert_element_type3A = arith.truncf %mul3A_52 : vector<704x64xf32> to vector<704x64xbf16>
    %convert_element_type3A_53 = arith.extf %convert_element_type3A : vector<704x64xbf16> to vector<704x64xf32>
    %mul3A_54 = vector.broadcast %get3A_43 : vector<704x1xf32> to vector<704x64xf32>
    %mul3A_55 = vector.broadcast %get3A_46 : vector<1x64xf32> to vector<704x64xf32>
    %mul3A_56 = arith.mulf %mul3A_54, %mul3A_55 : vector<704x64xf32>
    %convert_element_type3A_57 = arith.truncf %mul3A_56 : vector<704x64xf32> to vector<704x64xbf16>
    %convert_element_type3A_58 = arith.extf %convert_element_type3A_57 : vector<704x64xbf16> to vector<704x64xf32>
    %broadcast_in_dim3A_59 = vector.shape_cast %get3A_46 : vector<1x64xf32> to vector<1x64xf32>
    %broadcast_in_dim3A_60 = vector.broadcast %broadcast_in_dim3A_59 : vector<1x64xf32> to vector<704x64xf32>
    %convert_element_type3A_61 = arith.truncf %broadcast_in_dim3A_60 : vector<704x64xf32> to vector<704x64xbf16>
    %convert_element_type3A_62 = arith.extf %convert_element_type3A_61 : vector<704x64xbf16> to vector<704x64xf32>
    %slice3A = vector.extract_strided_slice %get3A_50 {offsets = [0, 0, 0], sizes = [1, 1, 1], strides = [1, 1, 1]} : vector<1x1x16xf32> to vector<1x1x1xf32>
    %squeeze3A = vector.extract %slice3A[0, 0, 0] : f32 from vector<1x1x1xf32>
    %convert_element_type3A_63 = arith.truncf %squeeze3A : f32 to bf16
    %convert_element_type3A_64 = arith.extf %convert_element_type3A_63 : bf16 to f32
    %mul3A_65 = vector.broadcast %convert_element_type3A_64 : f32 to vector<704x64xf32>
    %mul3A_66 = arith.mulf %mul3A_65, %convert_element_type3A_53 : vector<704x64xf32>
    %slice3A_67 = vector.extract_strided_slice %get3A_50 {offsets = [0, 0, 1], sizes = [1, 1, 1], strides = [1, 1, 1]} : vector<1x1x16xf32> to vector<1x1x1xf32>
    %squeeze3A_68 = vector.extract %slice3A_67[0, 0, 0] : f32 from vector<1x1x1xf32>
    %convert_element_type3A_69 = arith.truncf %squeeze3A_68 : f32 to bf16
    %convert_element_type3A_70 = arith.extf %convert_element_type3A_69 : bf16 to f32
    %mul3A_71 = vector.broadcast %convert_element_type3A_70 : f32 to vector<704x64xf32>
    %mul3A_72 = arith.mulf %mul3A_71, %convert_element_type3A_58 : vector<704x64xf32>
    %add3A_73 = arith.addf %mul3A_66, %mul3A_72 : vector<704x64xf32>
    %slice3A_74 = vector.extract_strided_slice %get3A_50 {offsets = [0, 0, 2], sizes = [1, 1, 1], strides = [1, 1, 1]} : vector<1x1x16xf32> to vector<1x1x1xf32>
    %squeeze3A_75 = vector.extract %slice3A_74[0, 0, 0] : f32 from vector<1x1x1xf32>
    %convert_element_type3A_76 = arith.truncf %squeeze3A_75 : f32 to bf16
    %convert_element_type3A_77 = arith.extf %convert_element_type3A_76 : bf16 to f32
    %mul3A_78 = vector.broadcast %convert_element_type3A_77 : f32 to vector<704x64xf32>
    %mul3A_79 = arith.mulf %mul3A_78, %convert_element_type3A_62 : vector<704x64xf32>
    %add3A_80 = arith.addf %add3A_73, %mul3A_79 : vector<704x64xf32>
    %slice3A_81 = vector.extract_strided_slice %get3A_50 {offsets = [0, 0, 9], sizes = [1, 1, 1], strides = [1, 1, 1]} : vector<1x1x16xf32> to vector<1x1x1xf32>
    %squeeze3A_82 = vector.extract %slice3A_81[0, 0, 0] : f32 from vector<1x1x1xf32>
    %add3A_83 = vector.broadcast %squeeze3A_82 : f32 to vector<704x64xf32>
    %add3A_84 = arith.addf %add3A_80, %add3A_83 : vector<704x64xf32>
    %sub3A_85 = arith.constant -5.120000e+01 : f32
    %sub3A_86 = vector.broadcast %sub3A_85 : f32 to vector<704x64xf32>
    %sub3A_87 = arith.subf %add3A_84, %sub3A_86 : vector<704x64xf32>
    %div3A_88 = arith.constant 8.000000e-01 : f32
    %div3A_89 = vector.broadcast %div3A_88 : f32 to vector<704x64xf32>
    %div3A_90 = arith.divf %sub3A_87, %div3A_89 : vector<704x64xf32>
    %convert_element_type3A_91 = arith.fptosi %div3A_90 : vector<704x64xf32> to vector<704x64xi32>
    %slice3A_92 = vector.extract_strided_slice %get3A_50 {offsets = [0, 0, 3], sizes = [1, 1, 1], strides = [1, 1, 1]} : vector<1x1x16xf32> to vector<1x1x1xf32>
    %squeeze3A_93 = vector.extract %slice3A_92[0, 0, 0] : f32 from vector<1x1x1xf32>
    %convert_element_type3A_94 = arith.truncf %squeeze3A_93 : f32 to bf16
    %convert_element_type3A_95 = arith.extf %convert_element_type3A_94 : bf16 to f32
    %mul3A_96 = vector.broadcast %convert_element_type3A_95 : f32 to vector<704x64xf32>
    %mul3A_97 = arith.mulf %mul3A_96, %convert_element_type3A_53 : vector<704x64xf32>
    %slice3A_98 = vector.extract_strided_slice %get3A_50 {offsets = [0, 0, 4], sizes = [1, 1, 1], strides = [1, 1, 1]} : vector<1x1x16xf32> to vector<1x1x1xf32>
    %squeeze3A_99 = vector.extract %slice3A_98[0, 0, 0] : f32 from vector<1x1x1xf32>
    %convert_element_type3A_100 = arith.truncf %squeeze3A_99 : f32 to bf16
    %convert_element_type3A_101 = arith.extf %convert_element_type3A_100 : bf16 to f32
    %mul3A_102 = vector.broadcast %convert_element_type3A_101 : f32 to vector<704x64xf32>
    %mul3A_103 = arith.mulf %mul3A_102, %convert_element_type3A_58 : vector<704x64xf32>
    %add3A_104 = arith.addf %mul3A_97, %mul3A_103 : vector<704x64xf32>
    %slice3A_105 = vector.extract_strided_slice %get3A_50 {offsets = [0, 0, 5], sizes = [1, 1, 1], strides = [1, 1, 1]} : vector<1x1x16xf32> to vector<1x1x1xf32>
    %squeeze3A_106 = vector.extract %slice3A_105[0, 0, 0] : f32 from vector<1x1x1xf32>
    %convert_element_type3A_107 = arith.truncf %squeeze3A_106 : f32 to bf16
    %convert_element_type3A_108 = arith.extf %convert_element_type3A_107 : bf16 to f32
    %mul3A_109 = vector.broadcast %convert_element_type3A_108 : f32 to vector<704x64xf32>
    %mul3A_110 = arith.mulf %mul3A_109, %convert_element_type3A_62 : vector<704x64xf32>
    %add3A_111 = arith.addf %add3A_104, %mul3A_110 : vector<704x64xf32>
    %slice3A_112 = vector.extract_strided_slice %get3A_50 {offsets = [0, 0, 10], sizes = [1, 1, 1], strides = [1, 1, 1]} : vector<1x1x16xf32> to vector<1x1x1xf32>
    %squeeze3A_113 = vector.extract %slice3A_112[0, 0, 0] : f32 from vector<1x1x1xf32>
    %add3A_114 = vector.broadcast %squeeze3A_113 : f32 to vector<704x64xf32>
    %add3A_115 = arith.addf %add3A_111, %add3A_114 : vector<704x64xf32>
    %sub3A_116 = arith.constant -5.120000e+01 : f32
    %sub3A_117 = vector.broadcast %sub3A_116 : f32 to vector<704x64xf32>
    %sub3A_118 = arith.subf %add3A_115, %sub3A_117 : vector<704x64xf32>
    %div3A_119 = arith.constant 8.000000e-01 : f32
    %div3A_120 = vector.broadcast %div3A_119 : f32 to vector<704x64xf32>
    %div3A_121 = arith.divf %sub3A_118, %div3A_120 : vector<704x64xf32>
    %convert_element_type3A_122 = arith.fptosi %div3A_121 : vector<704x64xf32> to vector<704x64xi32>
    %slice3A_123 = vector.extract_strided_slice %get3A_50 {offsets = [0, 0, 6], sizes = [1, 1, 1], strides = [1, 1, 1]} : vector<1x1x16xf32> to vector<1x1x1xf32>
    %squeeze3A_124 = vector.extract %slice3A_123[0, 0, 0] : f32 from vector<1x1x1xf32>
    %convert_element_type3A_125 = arith.truncf %squeeze3A_124 : f32 to bf16
    %convert_element_type3A_126 = arith.extf %convert_element_type3A_125 : bf16 to f32
    %mul3A_127 = vector.broadcast %convert_element_type3A_126 : f32 to vector<704x64xf32>
    %mul3A_128 = arith.mulf %mul3A_127, %convert_element_type3A_53 : vector<704x64xf32>
    %slice3A_129 = vector.extract_strided_slice %get3A_50 {offsets = [0, 0, 7], sizes = [1, 1, 1], strides = [1, 1, 1]} : vector<1x1x16xf32> to vector<1x1x1xf32>
    %squeeze3A_130 = vector.extract %slice3A_129[0, 0, 0] : f32 from vector<1x1x1xf32>
    %convert_element_type3A_131 = arith.truncf %squeeze3A_130 : f32 to bf16
    %convert_element_type3A_132 = arith.extf %convert_element_type3A_131 : bf16 to f32
    %mul3A_133 = vector.broadcast %convert_element_type3A_132 : f32 to vector<704x64xf32>
    %mul3A_134 = arith.mulf %mul3A_133, %convert_element_type3A_58 : vector<704x64xf32>
    %add3A_135 = arith.addf %mul3A_128, %mul3A_134 : vector<704x64xf32>
    %slice3A_136 = vector.extract_strided_slice %get3A_50 {offsets = [0, 0, 8], sizes = [1, 1, 1], strides = [1, 1, 1]} : vector<1x1x16xf32> to vector<1x1x1xf32>
    %squeeze3A_137 = vector.extract %slice3A_136[0, 0, 0] : f32 from vector<1x1x1xf32>
    %convert_element_type3A_138 = arith.truncf %squeeze3A_137 : f32 to bf16
    %convert_element_type3A_139 = arith.extf %convert_element_type3A_138 : bf16 to f32
    %mul3A_140 = vector.broadcast %convert_element_type3A_139 : f32 to vector<704x64xf32>
    %mul3A_141 = arith.mulf %mul3A_140, %convert_element_type3A_62 : vector<704x64xf32>
    %add3A_142 = arith.addf %add3A_135, %mul3A_141 : vector<704x64xf32>
    %slice3A_143 = vector.extract_strided_slice %get3A_50 {offsets = [0, 0, 11], sizes = [1, 1, 1], strides = [1, 1, 1]} : vector<1x1x16xf32> to vector<1x1x1xf32>
    %squeeze3A_144 = vector.extract %slice3A_143[0, 0, 0] : f32 from vector<1x1x1xf32>
    %add3A_145 = vector.broadcast %squeeze3A_144 : f32 to vector<704x64xf32>
    %add3A_146 = arith.addf %add3A_142, %add3A_145 : vector<704x64xf32>
    %sub3A_147 = arith.constant -5.000000e+00 : f32
    %sub3A_148 = vector.broadcast %sub3A_147 : f32 to vector<704x64xf32>
    %sub3A_149 = arith.subf %add3A_146, %sub3A_148 : vector<704x64xf32>
    %div3A_150 = arith.constant 8.000000e+00 : f32
    %div3A_151 = vector.broadcast %div3A_150 : f32 to vector<704x64xf32>
    %div3A_152 = arith.divf %sub3A_149, %div3A_151 : vector<704x64xf32>
    %convert_element_type3A_153 = arith.fptosi %div3A_152 : vector<704x64xf32> to vector<704x64xi32>
    %ge3A = arith.constant 0 : i32
    %ge3A_154 = vector.broadcast %ge3A : i32 to vector<704x64xi32>
    %ge3A_155 = arith.cmpi sge, %convert_element_type3A_91, %ge3A_154 : vector<704x64xi32>
    %lt3A = arith.constant 128 : i32
    %lt3A_156 = vector.broadcast %lt3A : i32 to vector<704x64xi32>
    %lt3A_157 = arith.cmpi slt, %convert_element_type3A_91, %lt3A_156 : vector<704x64xi32>
    %and3A = arith.andi %ge3A_155, %lt3A_157 : vector<704x64xi1>
    %ge3A_158 = arith.constant 0 : i32
    %ge3A_159 = vector.broadcast %ge3A_158 : i32 to vector<704x64xi32>
    %ge3A_160 = arith.cmpi sge, %convert_element_type3A_122, %ge3A_159 : vector<704x64xi32>
    %and3A_161 = arith.andi %and3A, %ge3A_160 : vector<704x64xi1>
    %lt3A_162 = arith.constant 128 : i32
    %lt3A_163 = vector.broadcast %lt3A_162 : i32 to vector<704x64xi32>
    %lt3A_164 = arith.cmpi slt, %convert_element_type3A_122, %lt3A_163 : vector<704x64xi32>
    %and3A_165 = arith.andi %and3A_161, %lt3A_164 : vector<704x64xi1>
    %ge3A_166 = arith.constant 0 : i32
    %ge3A_167 = vector.broadcast %ge3A_166 : i32 to vector<704x64xi32>
    %ge3A_168 = arith.cmpi sge, %convert_element_type3A_153, %ge3A_167 : vector<704x64xi32>
    %and3A_169 = arith.andi %and3A_165, %ge3A_168 : vector<704x64xi1>
    %lt3A_170 = arith.constant 1 : i32
    %lt3A_171 = vector.broadcast %lt3A_170 : i32 to vector<704x64xi32>
    %lt3A_172 = arith.cmpi slt, %convert_element_type3A_153, %lt3A_171 : vector<704x64xi32>
    %and3A_173 = arith.andi %and3A_169, %lt3A_172 : vector<704x64xi1>
    %iota3A = tpu.iota {dimensions = array<i32: 1>} : vector<704x64xi32>
    %lt3A_174 = arith.constant 59 : i32
    %lt3A_175 = vector.broadcast %lt3A_174 : i32 to vector<704x64xi32>
    %lt3A_176 = arith.cmpi slt, %iota3A, %lt3A_175 : vector<704x64xi32>
    %and3A_177 = arith.andi %and3A_173, %lt3A_176 : vector<704x64xi1>
    %mul3A_178 = arith.constant 128 : i32
    %mul3A_179 = vector.broadcast %mul3A_178 : i32 to vector<704x64xi32>
    %mul3A_180 = arith.muli %convert_element_type3A_122, %mul3A_179 : vector<704x64xi32>
    %add3A_181 = arith.addi %convert_element_type3A_91, %mul3A_180 : vector<704x64xi32>
    %jit3A = arith.constant 16384 : i32
    %broadcast_in_dim3A_182 = vector.broadcast %jit3A : i32 to vector<704x64xi32>
    %select_n3A = arith.select %and3A_177, %add3A_181, %broadcast_in_dim3A_182 : vector<704x64xi1>, vector<704x64xi32>
    %swap3A_183 = arith.constant 0 : index
    %swap3A_184 = arith.constant 0 : index
    %swap3A_185 = arith.constant 0 : index
    %swap3A_186 = vector.load %arg11[%swap3A_183, %swap3A_184, %swap3A_185] : memref<1x704x64xi32, #tpu.memory_space<vmem>>, vector<1x704x64xi32>
    %swap3A_187 = vector.shape_cast %swap3A_186 : vector<1x704x64xi32> to vector<704x64xi32>
    %swap3A_188 = vector.shape_cast %select_n3A : vector<704x64xi32> to vector<1x704x64xi32>
    tpu.vector_store %arg11[%swap3A_183, %swap3A_184, %swap3A_185], %swap3A_188 {strides = array<i32>} : memref<1x704x64xi32, #tpu.memory_space<vmem>>, vector<1x704x64xi32>,
    return
  }
  func.func @transform_0(%arg0: i32) -> (i32, i32, i32) {
    %c0_i32 = arith.constant 0 : i32
    %c0_i32_0 = arith.constant 0 : i32
    %c0_i32_1 = arith.constant 0 : i32
    return %arg0, %c0_i32, %c0_i32_0 : i32, i32, i32
  }
  func.func @transform_1(%arg0: i32) -> (i32, i32) {
    %c0_i32 = arith.constant 0 : i32
    %c0_i32_0 = arith.constant 0 : i32
    %c0_i32_1 = arith.constant 0 : i32
    return %c0_i32, %c0_i32_0 : i32, i32
  }
  func.func @transform_2(%arg0: i32) -> (i32, i32) {
    %c0_i32 = arith.constant 0 : i32
    %c0_i32_0 = arith.constant 0 : i32
    %c0_i32_1 = arith.constant 0 : i32
    return %c0_i32, %c0_i32_0 : i32, i32
  }
  func.func @transform_3(%arg0: i32) -> (i32, i32) {
    %c0_i32 = arith.constant 0 : i32
    %c0_i32_0 = arith.constant 0 : i32
    %c0_i32_1 = arith.constant 0 : i32
    return %c0_i32, %c0_i32_0 : i32, i32
  }
  func.func @transform_4(%arg0: i32) -> (i32, i32) {
    %c0_i32 = arith.constant 0 : i32
    %c0_i32_0 = arith.constant 0 : i32
    %c0_i32_1 = arith.constant 0 : i32
    return %c0_i32, %c0_i32_0 : i32, i32
  }
  func.func @transform_5(%arg0: i32) -> (i32, i32, i32) {
    %c0_i32 = arith.constant 0 : i32
    %c0_i32_0 = arith.constant 0 : i32
    %c0_i32_1 = arith.constant 0 : i32
    return %arg0, %c0_i32, %c0_i32_0 : i32, i32, i32
  }
  func.func @transform_6(%arg0: i32) -> (i32, i32) {
    %c0_i32 = arith.constant 0 : i32
    %c0_i32_0 = arith.constant 0 : i32
    %c0_i32_1 = arith.constant 0 : i32
    return %c0_i32, %c0_i32_0 : i32, i32
  }
  func.func @transform_7(%arg0: i32) -> (i32, i32) {
    %c0_i32 = arith.constant 0 : i32
    %c0_i32_0 = arith.constant 0 : i32
    %c0_i32_1 = arith.constant 0 : i32
    return %c0_i32, %c0_i32_0 : i32, i32
  }
  func.func @transform_8(%arg0: i32) -> (i32, i32, i32) {
    %c0_i32 = arith.constant 0 : i32
    %c0_i32_0 = arith.constant 0 : i32
    %c0_i32_1 = arith.constant 0 : i32
    return %arg0, %c0_i32, %c0_i32_0 : i32, i32, i32
  }
  func.func @transform_9(%arg0: i32) -> (i32, i32, i32) {
    %c0_i32 = arith.constant 0 : i32
    %c0_i32_0 = arith.constant 0 : i32
    %c0_i32_1 = arith.constant 0 : i32
    return %arg0, %c0_i32, %c0_i32_0 : i32, i32, i32
  }
  func.func @transform_10(%arg0: i32) -> (i32, i32, i32) {
    %c0_i32 = arith.constant 0 : i32
    %c0_i32_0 = arith.constant 0 : i32
    %c0_i32_1 = arith.constant 0 : i32
    return %arg0, %c0_i32, %c0_i32_0 : i32, i32, i32
  }
}

</mosaic_0001>

<sc_bundles>
// kernel: scatter_offload_async_start
scs
__scs_entry_jumppad:
0x0: {  	(pc) =	sbr.rel $0x88, $3  }
0x1: {  	(tag) =	ssettag $0x0;
	lr =	simm.s32 $0x1  }
0x2: {  	[smem:$0x3F9B] =	sst lr;
	_ =	strace $0xD0000000  }
0x3: {  	_ = 	snop  }
0x4: {  	_ = 	snop  }
0x5: {  	_ = 	snop  }
0x6: {  	_ = 	snop  }
0x7: {  	_ = 	snop  }
__scs_overlays_trampoline_lowered:
0x8: {  	[smem:$0x3FAA] =	sst s0  }
0x9: {  	[smem:$0x3FAB] =	sst s1  }
0xa: {  	[smem:$0x3FAC] =	sst s2  }
0xb: {  	[smem:$0x3FAD] =	sst s3  }
0xc: {  	[smem:$0x3FAE] =	sst s4  }
0xd: {  	[smem:$0x3FAF] =	sst s5  }
0xe: {  	[smem:$0x3FB0] =	sst s6  }
0xf: {  	[smem:$0x3FB1] =	sst s7  }
0x10: {  	[smem:$0x3FB2] =	sst s8  }
0x11: {  	[smem:$0x3FB3] =	sst s9;
	s0 =	simm.s32 @!p0 $0x0  }
0x12: {  	s1 =	sld [smem:$0x3F99];
	s0 =	simm.s32 @p0 $0x1  }
0x13: {  	[smem:$0x3FB4] =	sst s0;
	s0 =	simm.s32 @!p1 $0x0  }
0x14: {  	s2 =	sld [smem:$0x3F98];
	s0 =	simm.s32 @p1 $0x1  }
0x15: {  	[smem:$0x3FB5] =	sst s0;
	s0 =	simm.s32 @!p2 $0x0  }
0x16: {  	s3 =	sld [smem:$0x3FDB];
	s0 =	simm.s32 @p2 $0x1  }
0x17: {  	s4 =	simm.s32 $0x1BF5;
	[smem:$0x3FB7] =	sst s0  }
0x18: {  	s0 =	sld [smem:$0x3F9A];
	_ =	swait.ge [sflag:s4], $0x0  }
0x19: {  	s7 =	sld [smem:$0x3F9B]  }
0x1a: {  	s8 =	sadd.s32 $0xFFFFE003, lr  }
0x1b: {  	s9 =	sadd.s32 $0xFFFFFEF7, lr;
	s5 =	simm.s32 $0xFFFFFFFF;
	p2 =	slt.u32 s8, $0xFFFFF086  }
0x1c: {  	p1 =	slt.u32 s9, $0xF7A;
	s5 =	simm.s32 @!p2 $0x0  }
0x1d: {  	s5 =	simm.s32 @p1 $0x1;
	p0 =	seq.s32 s7, s2  }
0x1e: {  	s7 =	smul.u32 @!p0 $0xF7A, s2;
	p2 =	seq.s32 @!p0 s5, $0x0  }
0x1f: {  	s9 =	smul.u32 $0xF7A, s1;
	s8 =	simm.s32 @!p0 $0x1BF5;
	p2 =	por !p2, p0  }
0x20: {  	[sflag:s8] =	ssyncset.s32 @!p0 $0xFFFFF086;
	s6 =	sadd.s32 @!p0 s3, s7;
	s7 =	simm.s32 @!p0 $0x108  }
0x21: {  	s3 =	sadd.s32 s3, s9;
	s6 =	sadd.s32 @!p0 $0x88, s6;
	s7 =	simm.s32 @p2 $0x1082  }
0x22: {  	[simem:s7], [sflag:s8] =	dma.local @!p0 [hbm:s6], $0xF7A  }
0x23: {  	s9 =	sor.u32 $0xD0000000, s2;
	s6 =	simm.s32 $0x108;
	_ =	swait.ge @!p0 [sflag:s8], $0x0  }
0x24: {  	s3 =	sadd.s32 $0x88, s3;
	s6 =	simm.s32 @!p1 $0x1082;
	[sflag:s4] =	ssyncset.s32 $0xFFFFF086  }
0x25: {  	[simem:s6], [sflag:s4] =	dma.local [hbm:s3], $0xF7A  }
0x26: {  	[smem:$0x3F9B] =	sst s1;
	(tag) =	ssettag s2;
	_ =	strace s9  }
0x27: {  	s1 =	sld [smem:$0x3FAB]  }
0x28: {  	s2 =	sld [smem:$0x3FAC]  }
0x29: {  	s4 =	sld [smem:$0x3FAE]  }
0x2a: {  	p0 =	seq.s32 s5, $0x0;
	s5 =	sld [smem:$0x3FAF]  }
0x2b: {  	s6 =	sld [smem:$0x3FB0]  }
0x2c: {  	s7 =	sld [smem:$0x3FB1]  }
0x2d: {  	s3 =	simm.s32 $0x108;
	s8 =	sld [smem:$0x3FB2]  }
0x2e: {  	s3 =	simm.s32 @!p0 $0x1082;
	s9 =	sld [smem:$0x3FB3]  }
0x2f: {  	lr =	sadd.s32 s0, s3;
	s0 =	sld [smem:$0x3FAA]  }
0x30: {  	s3 =	sld [smem:$0x3FAD]  }
0x31: {  	[smem:$0x3FB6] =	sst s10  }
0x32: {  	s10 =	sld [smem:$0x3FB4];
	_ =	sdelay $0x3  }
0x33: {  	p0 =	seq.s32 s10, $0x1;
	s10 =	sld [smem:$0x3FB6];
	_ =	sdelay $0x3  }
0x34: {  	[smem:$0x3FB6] =	sst s10  }
0x35: {  	s10 =	sld [smem:$0x3FB5];
	_ =	sdelay $0x3  }
0x36: {  	p1 =	seq.s32 s10, $0x1;
	s10 =	sld [smem:$0x3FB6];
	_ =	sdelay $0x3  }
0x37: {  	[smem:$0x3FB6] =	sst s10  }
0x38: {  	s10 =	sld [smem:$0x3FB7]  }
0x39: {  	_ = 	snop;
	(pc) =	sbr.ind lr, $3  }
0x3a: {  	_ = 	snop  }
0x3b: {  	_ = 	snop  }
0x3c: {  	p2 =	seq.s32 s10, $0x1;
	s10 =	sld [smem:$0x3FB6]  }
0x3d: {  	_ =	shalt  }
0x3e: {  	_ =	shalt  }
0x3f: {  	_ =	shalt  }
0x40: {  	_ =	shalt  }
0x41: {  	_ =	shalt  }
0x42: {  	_ =	shalt  }
0x43: {  	_ =	shalt  }
0x44: {  	_ =	shalt  }
0x45: {  	_ =	shalt  }
0x46: {  	_ =	shalt  }
0x47: {  	_ =	shalt  }
0x48: {  	_ =	shalt  }
0x49: {  	_ =	shalt  }
0x4a: {  	_ =	shalt  }
0x4b: {  	_ =	shalt  }
0x4c: {  	_ =	shalt  }
0x4d: {  	_ =	shalt  }
0x4e: {  	_ =	shalt  }
0x4f: {  	_ =	shalt  }
0x50: {  	_ =	shalt  }
0x51: {  	_ =	shalt  }
0x52: {  	_ =	shalt  }
0x53: {  	_ =	shalt  }
0x54: {  	_ =	shalt  }
0x55: {  	_ =	shalt  }
0x56: {  	_ =	shalt  }
0x57: {  	_ =	shalt  }
0x58: {  	_ =	shalt  }
0x59: {  	_ =	shalt  }
0x5a: {  	_ =	shalt  }
0x5b: {  	_ =	shalt  }
0x5c: {  	_ =	shalt  }
0x5d: {  	_ =	shalt  }
0x5e: {  	_ =	shalt  }
0x5f: {  	_ =	shalt  }
0x60: {  	_ =	shalt  }
0x61: {  	_ =	shalt  }
0x62: {  	_ =	shalt  }
0x63: {  	_ =	shalt  }
0x64: {  	_ =	shalt  }
0x65: {  	_ =	shalt  }
0x66: {  	_ =	shalt  }
0x67: {  	_ =	shalt  }
0x68: {  	_ =	shalt  }
0x69: {  	_ =	shalt  }
0x6a: {  	_ =	shalt  }
0x6b: {  	_ =	shalt  }
0x6c: {  	_ =	shalt  }
0x6d: {  	_ =	shalt  }
0x6e: {  	_ =	shalt  }
0x6f: {  	_ =	shalt  }
0x70: {  	_ =	shalt  }
0x71: {  	_ =	shalt  }
0x72: {  	_ =	shalt  }
0x73: {  	_ =	shalt  }
0x74: {  	_ =	shalt  }
0x75: {  	_ =	shalt  }
0x76: {  	_ =	shalt  }
0x77: {  	_ =	shalt  }
0x78: {  	_ =	shalt  }
0x79: {  	_ =	shalt  }
0x7a: {  	_ =	shalt  }
0x7b: {  	_ =	shalt  }
0x7c: {  	_ =	shalt  }
0x7d: {  	_ =	shalt  }
0x7e: {  	_ =	shalt  }
0x7f: {  	_ =	shalt  }
0x80: {  	_ =	shalt  }
0x81: {  	_ =	shalt  }
0x82: {  	_ =	shalt  }
0x83: {  	_ =	shalt  }
0x84: {  	_ =	shalt  }
0x85: {  	_ =	shalt  }
0x86: {  	_ =	shalt  }
0x87: {  	_ =	shalt  }
.Lfunc_end0:
.L_simem_size_0:
called_computation_lowered:
.L_overlay_start_0:
0x88: {  	s2 =	sld [smem:$0x3FD9]  }
0x89: {  	s3 =	sld [smem:$0x3FFE];
	_ =	sdelay $0x1  }
0x8a: {  	s1 =	srdreg.scid  }
0x8b: {  	s0 =	sand.u32 $0x1, s1  }
0x8c: {  	s16 =	sshll.u32 s0, $0xA;
	s2 =	sadd.s32 s3, s2  }
0x8d: {  	s2 =	sadd.s32 s2, s16  }
0x8e: {  	[smem:$0x3FC2] =	sst s2  }
0x8f: {  	_ = 	snop  }
0x90: {  	s2 =	sld [smem:$0x3FD0];
	(tm) =	ssettm $0x1  }
0x91: {  	s17 =	sld [smem:$0x3FFB];
	_ =	sdelay $0x3  }
0x92: {  	_ =	strace s17  }
0x93: {  	s3 =	sld [smem:$0x3FFC];
	_ =	sdelay $0x3  }
0x94: {  	_ =	strace s3  }
0x95: {  	s3 =	sld [smem:$0x3FFD];
	_ =	sdelay $0x3  }
0x96: {  	_ =	strace s3  }
0x97: {  	_ =	strace $0x8FFFFFFF  }
0x98: {  	s18 =	sld [smem:$0x3FDB];
	_ =	sdelay $0x1  }
0x99: {  	s4 =	simm.s32 $_scs_section_size  }
0x9a: {  	s5 =	simm.s32 $_size__tile_overlayer_lowered;
	s6 =	simm.s32 $_tile_overlayer_lowered  }
0x9b: {  	s21 =	simm.s32 $0x1BFF;
	s20 =	sshll.u32 s6, $0x1;
	s3 =	sadd.s32 s4, s18  }
0x9c: {  	s7 =	simm.s32 $0x0;
	s19 =	sshll.u32 s5, $0x1;
	s5 =	sadd.s32 s20, s3  }
0x9d: {  	[timem:s7], [sflag:s21] =	dma.local [hbm:s5], s19  }
0x9e: {  	_ =	swait.ge [sflag:s21], s19  }
0x9f: {  	s4 =	ssub.s32 $0x0, s19;
	[sflag:s21] =	ssyncset.done $0x0  }
0xa0: {  	[sflag:s21] =	ssyncadd.s32 s4;
	_ =	sdelay $0x1  }
0xa1: {  	s22 =	simm.s32 $0x1B8B  }
0xa2: {  	_ =	swait.ge [sflag:s22], $0x1  }
0xa3: {  	[sflag:s22] =	ssyncset.done $0x0  }
0xa4: {  	s23 =	sld [smem:$0x3FFE];
	[sflag:s22] =	ssyncadd.s32 $0xFFFFFFFF  }
0xa5: {  	s25 =	simm.s32 $0x1B8E;
	s24 =	sld [smem:$0x0]  }
0xa6: {  	s26 =	simm.s32 $execute0_lowered;
	[smem:$0x3FD2] =	sst s25  }
0xa7: {  	s6 =	sshll.u32 s26, $0x1;
	_ =	strace $0x80000049;
	[dreg:$0x1] =	wrdreg $0xFFFFFFFF  }
0xa8: {  	s28 =	simm.s32 $_size_execute0_lowered;
	s3 =	sadd.s32 s3, s6;
	[dreg:$0x0] =	wrdreg $0x0  }
0xa9: {  	s6 =	sshll.u32 s28, $0x1;
	[dreg:$0x2] =	wrdreg s3  }
0xaa: {  	[dreg:$0x3] =	wrdreg s6  }
0xab: {  	[dreg:$0x4] =	wrdreg $0xC0  }
0xac: {  	_ =	task [dreg:s7], $0x5FFFF  }
0xad: {  	[dreg:$0x1] =	wrdreg $0xFFFFFFFF  }
0xae: {  	[dreg:$0x0] =	wrdreg $0x60  }
0xaf: {  	[dreg:$0x2] =	wrdreg s23  }
0xb0: {  	[dreg:$0x3] =	wrdreg s2  }
0xb1: {  	[dreg:$0x4] =	wrdreg s1  }
0xb2: {  	[dreg:$0x5] =	wrdreg s24  }
0xb3: {  	[dreg:$0x6] =	wrdreg $0x9  }
0xb4: {  	_ =	task.clear_ibuf [dreg:s7], $0x7FFFF;
	_ =	strace $0x90000049  }
0xb5: {  	s29 =	simm.s32 $0x9;
	_ =	strace $0x8000004B  }
0xb6: {  	_ =	swait.ge [sflag:s29], $0x1  }
0xb7: {  	[sflag:s29] =	ssyncadd.s32 $0xFFFFFFFF  }
0xb8: {  	_ =	strace $0x9000004B  }
0xb9: {  	_ =	sfence  }
0xba: {  	s30 =	sld [smem:$0x0];
	_ =	sdelay $0x2  }
0xbb: {  	s31 =	sshll.u32 s1, $0xD;
	s1 =	sshrl.u32 s1, $0x2  }
0xbc: {  	s3 =	sand.u32 $0x4000, s31;
	s1 =	sadd.s32 s1, s30  }
0xbd: {  	s0 =	sor.u32 s3, s0;
	s1 =	sshll.u32 s1, $0x11  }
0xbe: {  	s0 =	sor.u32 s1, s0  }
0xbf: {  	s0 =	sadd.s32 $0x8F2B, s0  }
0xc0: {  	[sflag:s0] =	ssyncadd.remote.s32 $0x1  }
0xc1: {  	_ =	sfence.sel $0xFFFF  }
0xc2: {  	[dreg:$0x0] =	wrdreg $0xFFFFFFFF;
	(pc) =	sbr.abs _section_cstart, $3  }
0xc3: {  	[dreg:$0x1] =	wrdreg $0xFFFFFFFF  }
0xc4: {  	_ =	task.clear_ibuf [dreg:s7], $0x2FFFF;
	_ =	strace $0x9FFFFFFF  }
0xc5: {  	(tm) =	ssettm $0x7FFFFFFF  }
tec
execute0_lowered:
.L_overlay_start_1:
0x0: {  	(tag) =	ssettag $0x1  }
0x1: {  	s3 =	rddreg [dreg:$0x0]  }
0x2: {  	s5 =	rddreg [dreg:$0x1]  }
0x3: {  	s2 =	rddreg [dreg:$0x2];
	_ =	strace $0x8000004A;
	s4 =	simm.s32 $0x1  }
0x4: {  	v0 =	vimm.s32 $0x0;
	[sflag:s4] =	ssyncpa.u1 $0x0  }
0x5: {  	[tilespmem:$0xA8] =	vst v0  }
0x6: {  	[tilespmem:$0xB8] =	vst v0  }
0x7: {  	[tilespmem:$0xC8] =	vst v0  }
0x8: {  	[tilespmem:$0xD8] =	vst v0  }
0x9: {  	[tilespmem:$0xE8] =	vst v0  }
0xa: {  	[tilespmem:$0xF8] =	vst v0  }
0xb: {  	[tilespmem:$0x108] =	vst v0  }
0xc: {  	[tilespmem:$0x118] =	vst v0  }
0xd: {  	[tilespmem:$0x128] =	vst v0  }
0xe: {  	[tilespmem:$0x138] =	vst v0  }
0xf: {  	[tilespmem:$0x148] =	vst v0  }
0x10: {  	[tilespmem:$0x158] =	vst v0  }
0x11: {  	[tilespmem:$0x168] =	vst v0  }
0x12: {  	[tilespmem:$0x178] =	vst v0  }
0x13: {  	[tilespmem:$0x188] =	vst v0  }
0x14: {  	[tilespmem:$0x198] =	vst v0  }
0x15: {  	[tilespmem:$0x1A8] =	vst v0  }
0x16: {  	[tilespmem:$0x1B8] =	vst v0  }
0x17: {  	[tilespmem:$0x1C8] =	vst v0  }
0x18: {  	[tilespmem:$0x1D8] =	vst v0  }
0x19: {  	[tilespmem:$0x1E8] =	vst v0  }
0x1a: {  	[tilespmem:$0x1F8] =	vst v0  }
0x1b: {  	[tilespmem:$0x208] =	vst v0  }
0x1c: {  	[tilespmem:$0x218] =	vst v0  }
0x1d: {  	[tilespmem:$0x228] =	vst v0  }
0x1e: {  	[tilespmem:$0x238] =	vst v0  }
0x1f: {  	[tilespmem:$0x248] =	vst v0  }
0x20: {  	[tilespmem:$0x258] =	vst v0  }
0x21: {  	[tilespmem:$0x268] =	vst v0  }
0x22: {  	[tilespmem:$0x278] =	vst v0  }
0x23: {  	[tilespmem:$0x288] =	vst v0  }
0x24: {  	[tilespmem:$0x298] =	vst v0  }
0x25: {  	[tilespmem:$0x2A8] =	vst v0  }
0x26: {  	[tilespmem:$0x2B8] =	vst v0  }
0x27: {  	[tilespmem:$0x2C8] =	vst v0  }
0x28: {  	[tilespmem:$0x2D8] =	vst v0  }
0x29: {  	[tilespmem:$0x2E8] =	vst v0  }
0x2a: {  	[tilespmem:$0x2F8] =	vst v0  }
0x2b: {  	[tilespmem:$0x308] =	vst v0  }
0x2c: {  	[tilespmem:$0x318] =	vst v0  }
0x2d: {  	[tilespmem:$0x328] =	vst v0  }
0x2e: {  	[tilespmem:$0x338] =	vst v0  }
0x2f: {  	[tilespmem:$0x348] =	vst v0  }
0x30: {  	[tilespmem:$0x358] =	vst v0  }
0x31: {  	[tilespmem:$0x368] =	vst v0  }
0x32: {  	[tilespmem:$0x378] =	vst v0  }
0x33: {  	[tilespmem:$0x388] =	vst v0  }
0x34: {  	[tilespmem:$0x398] =	vst v0  }
0x35: {  	[tilespmem:$0x3A8] =	vst v0  }
0x36: {  	[tilespmem:$0x3B8] =	vst v0  }
0x37: {  	[tilespmem:$0x3C8] =	vst v0  }
0x38: {  	[tilespmem:$0x3D8] =	vst v0  }
0x39: {  	[tilespmem:$0x3E8] =	vst v0  }
0x3a: {  	[tilespmem:$0x3F8] =	vst v0  }
0x3b: {  	[tilespmem:$0x408] =	vst v0  }
0x3c: {  	[tilespmem:$0x418] =	vst v0  }
0x3d: {  	[tilespmem:$0x428] =	vst v0  }
0x3e: {  	[tilespmem:$0x438] =	vst v0  }
0x3f: {  	[tilespmem:$0x448] =	vst v0  }
0x40: {  	[tilespmem:$0x458] =	vst v0  }
0x41: {  	[tilespmem:$0x468] =	vst v0  }
0x42: {  	[tilespmem:$0x478] =	vst v0  }
0x43: {  	[tilespmem:$0x488] =	vst v0  }
0x44: {  	[tilespmem:$0x498] =	vst v0  }
0x45: {  	[tilespmem:$0x4A8] =	vst v0  }
0x46: {  	[tilespmem:$0x4B8] =	vst v0  }
0x47: {  	[tilespmem:$0x4C8] =	vst v0  }
0x48: {  	[tilespmem:$0x4D8] =	vst v0  }
0x49: {  	[tilespmem:$0x4E8] =	vst v0  }
0x4a: {  	[tilespmem:$0x4F8] =	vst v0  }
0x4b: {  	[tilespmem:$0x508] =	vst v0  }
0x4c: {  	[tilespmem:$0x518] =	vst v0  }
0x4d: {  	[tilespmem:$0x528] =	vst v0  }
0x4e: {  	[tilespmem:$0x538] =	vst v0  }
0x4f: {  	[tilespmem:$0x548] =	vst v0  }
0x50: {  	[tilespmem:$0x558] =	vst v0  }
0x51: {  	[tilespmem:$0x568] =	vst v0  }
0x52: {  	[tilespmem:$0x578] =	vst v0  }
0x53: {  	[tilespmem:$0x588] =	vst v0  }
0x54: {  	[tilespmem:$0x598] =	vst v0  }
0x55: {  	[tilespmem:$0x5A8] =	vst v0  }
0x56: {  	[tilespmem:$0x5B8] =	vst v0  }
0x57: {  	[tilespmem:$0x5C8] =	vst v0  }
0x58: {  	[tilespmem:$0x5D8] =	vst v0  }
0x59: {  	[tilespmem:$0x5E8] =	vst v0  }
0x5a: {  	[tilespmem:$0x5F8] =	vst v0  }
0x5b: {  	[tilespmem:$0x608] =	vst v0  }
0x5c: {  	[tilespmem:$0x618] =	vst v0  }
0x5d: {  	[tilespmem:$0x628] =	vst v0  }
0x5e: {  	[tilespmem:$0x638] =	vst v0  }
0x5f: {  	[tilespmem:$0x648] =	vst v0  }
0x60: {  	[tilespmem:$0x658] =	vst v0  }
0x61: {  	[tilespmem:$0x668] =	vst v0  }
0x62: {  	[tilespmem:$0x678] =	vst v0  }
0x63: {  	[tilespmem:$0x688] =	vst v0  }
0x64: {  	[tilespmem:$0x698] =	vst v0  }
0x65: {  	[tilespmem:$0x6A8] =	vst v0  }
0x66: {  	[tilespmem:$0x6B8] =	vst v0  }
0x67: {  	[tilespmem:$0x6C8] =	vst v0  }
0x68: {  	[tilespmem:$0x6D8] =	vst v0  }
0x69: {  	[tilespmem:$0x6E8] =	vst v0  }
0x6a: {  	[tilespmem:$0x6F8] =	vst v0  }
0x6b: {  	[tilespmem:$0x708] =	vst v0  }
0x6c: {  	[tilespmem:$0x718] =	vst v0  }
0x6d: {  	[tilespmem:$0x728] =	vst v0  }
0x6e: {  	[tilespmem:$0x738] =	vst v0  }
0x6f: {  	[tilespmem:$0x748] =	vst v0  }
0x70: {  	[tilespmem:$0x758] =	vst v0  }
0x71: {  	[tilespmem:$0x768] =	vst v0  }
0x72: {  	[tilespmem:$0x778] =	vst v0  }
0x73: {  	[tilespmem:$0x788] =	vst v0  }
0x74: {  	[tilespmem:$0x798] =	vst v0  }
0x75: {  	[tilespmem:$0x7A8] =	vst v0  }
0x76: {  	[tilespmem:$0x7B8] =	vst v0  }
0x77: {  	[tilespmem:$0x7C8] =	vst v0  }
0x78: {  	[tilespmem:$0x7D8] =	vst v0  }
0x79: {  	[tilespmem:$0x7E8] =	vst v0  }
0x7a: {  	[tilespmem:$0x7F8] =	vst v0  }
0x7b: {  	[tilespmem:$0x808] =	vst v0  }
0x7c: {  	[tilespmem:$0x818] =	vst v0  }
0x7d: {  	[tilespmem:$0x828] =	vst v0  }
0x7e: {  	[tilespmem:$0x838] =	vst v0  }
0x7f: {  	[tilespmem:$0x848] =	vst v0  }
0x80: {  	[tilespmem:$0x858] =	vst v0  }
0x81: {  	[tilespmem:$0x868] =	vst v0  }
0x82: {  	[tilespmem:$0x878] =	vst v0  }
0x83: {  	[tilespmem:$0x888] =	vst v0  }
0x84: {  	[tilespmem:$0x898] =	vst v0  }
0x85: {  	[tilespmem:$0x8A8] =	vst v0  }
0x86: {  	[tilespmem:$0x8B8] =	vst v0  }
0x87: {  	[tilespmem:$0x8C8] =	vst v0  }
0x88: {  	[tilespmem:$0x8D8] =	vst v0  }
0x89: {  	[tilespmem:$0x8E8] =	vst v0  }
0x8a: {  	[tilespmem:$0x8F8] =	vst v0  }
0x8b: {  	[tilespmem:$0x908] =	vst v0  }
0x8c: {  	[tilespmem:$0x918] =	vst v0  }
0x8d: {  	[tilespmem:$0x928] =	vst v0  }
0x8e: {  	[tilespmem:$0x938] =	vst v0  }
0x8f: {  	[tilespmem:$0x948] =	vst v0  }
0x90: {  	[tilespmem:$0x958] =	vst v0  }
0x91: {  	[tilespmem:$0x968] =	vst v0  }
0x92: {  	[tilespmem:$0x978] =	vst v0  }
0x93: {  	[tilespmem:$0x988] =	vst v0  }
0x94: {  	[tilespmem:$0x998] =	vst v0  }
0x95: {  	[tilespmem:$0x9A8] =	vst v0  }
0x96: {  	[tilespmem:$0x9B8] =	vst v0  }
0x97: {  	[tilespmem:$0x9C8] =	vst v0  }
0x98: {  	[tilespmem:$0x9D8] =	vst v0  }
0x99: {  	[tilespmem:$0x9E8] =	vst v0  }
0x9a: {  	[tilespmem:$0x9F8] =	vst v0  }
0x9b: {  	[tilespmem:$0xA08] =	vst v0  }
0x9c: {  	[tilespmem:$0xA18] =	vst v0  }
0x9d: {  	[tilespmem:$0xA28] =	vst v0  }
0x9e: {  	[tilespmem:$0xA38] =	vst v0  }
0x9f: {  	[tilespmem:$0xA48] =	vst v0  }
0xa0: {  	[tilespmem:$0xA58] =	vst v0  }
0xa1: {  	[tilespmem:$0xA68] =	vst v0  }
0xa2: {  	[tilespmem:$0xA78] =	vst v0  }
0xa3: {  	[tilespmem:$0xA88] =	vst v0  }
0xa4: {  	[tilespmem:$0xA98] =	vst v0  }
0xa5: {  	[tilespmem:$0xAA8] =	vst v0  }
0xa6: {  	[tilespmem:$0xAB8] =	vst v0  }
0xa7: {  	[tilespmem:$0xAC8] =	vst v0  }
0xa8: {  	[tilespmem:$0xAD8] =	vst v0  }
0xa9: {  	[tilespmem:$0xAE8] =	vst v0  }
0xaa: {  	[tilespmem:$0xAF8] =	vst v0  }
0xab: {  	[tilespmem:$0xB08] =	vst v0  }
0xac: {  	[tilespmem:$0xB18] =	vst v0  }
0xad: {  	[tilespmem:$0xB28] =	vst v0  }
0xae: {  	[tilespmem:$0xB38] =	vst v0  }
0xaf: {  	[tilespmem:$0xB48] =	vst v0  }
0xb0: {  	[tilespmem:$0xB58] =	vst v0  }
0xb1: {  	[tilespmem:$0xB68] =	vst v0  }
0xb2: {  	[tilespmem:$0xB78] =	vst v0  }
0xb3: {  	[tilespmem:$0xB88] =	vst v0  }
0xb4: {  	[tilespmem:$0xB98] =	vst v0  }
0xb5: {  	[tilespmem:$0xBA8] =	vst v0  }
0xb6: {  	[tilespmem:$0xBB8] =	vst v0  }
0xb7: {  	[tilespmem:$0xBC8] =	vst v0  }
0xb8: {  	[tilespmem:$0xBD8] =	vst v0  }
0xb9: {  	[tilespmem:$0xBE8] =	vst v0  }
0xba: {  	[tilespmem:$0xBF8] =	vst v0  }
0xbb: {  	[tilespmem:$0xC08] =	vst v0  }
0xbc: {  	[tilespmem:$0xC18] =	vst v0  }
0xbd: {  	[tilespmem:$0xC28] =	vst v0  }
0xbe: {  	[tilespmem:$0xC38] =	vst v0  }
0xbf: {  	[tilespmem:$0xC48] =	vst v0  }
0xc0: {  	[tilespmem:$0xC58] =	vst v0  }
0xc1: {  	[tilespmem:$0xC68] =	vst v0  }
0xc2: {  	[tilespmem:$0xC78] =	vst v0  }
0xc3: {  	[tilespmem:$0xC88] =	vst v0  }
0xc4: {  	[tilespmem:$0xC98] =	vst v0  }
0xc5: {  	[tilespmem:$0xCA8] =	vst v0  }
0xc6: {  	[tilespmem:$0xCB8] =	vst v0  }
0xc7: {  	[tilespmem:$0xCC8] =	vst v0  }
0xc8: {  	[tilespmem:$0xCD8] =	vst v0  }
0xc9: {  	[tilespmem:$0xCE8] =	vst v0  }
0xca: {  	[tilespmem:$0xCF8] =	vst v0  }
0xcb: {  	[tilespmem:$0xD08] =	vst v0  }
0xcc: {  	[tilespmem:$0xD18] =	vst v0  }
0xcd: {  	[tilespmem:$0xD28] =	vst v0  }
0xce: {  	[tilespmem:$0xD38] =	vst v0  }
0xcf: {  	[tilespmem:$0xD48] =	vst v0  }
0xd0: {  	[tilespmem:$0xD58] =	vst v0  }
0xd1: {  	[tilespmem:$0xD68] =	vst v0  }
0xd2: {  	[tilespmem:$0xD78] =	vst v0  }
0xd3: {  	[tilespmem:$0xD88] =	vst v0  }
0xd4: {  	[tilespmem:$0xD98] =	vst v0  }
0xd5: {  	[tilespmem:$0xDA8] =	vst v0  }
0xd6: {  	[tilespmem:$0xDB8] =	vst v0  }
0xd7: {  	[tilespmem:$0xDC8] =	vst v0  }
0xd8: {  	[tilespmem:$0xDD8] =	vst v0  }
0xd9: {  	[tilespmem:$0xDE8] =	vst v0  }
0xda: {  	[tilespmem:$0xDF8] =	vst v0  }
0xdb: {  	[tilespmem:$0xE08] =	vst v0  }
0xdc: {  	[tilespmem:$0xE18] =	vst v0  }
0xdd: {  	[tilespmem:$0xE28] =	vst v0  }
0xde: {  	[tilespmem:$0xE38] =	vst v0  }
0xdf: {  	[tilespmem:$0xE48] =	vst v0  }
0xe0: {  	[tilespmem:$0xE58] =	vst v0  }
0xe1: {  	[tilespmem:$0xE68] =	vst v0  }
0xe2: {  	[tilespmem:$0xE78] =	vst v0  }
0xe3: {  	[tilespmem:$0xE88] =	vst v0  }
0xe4: {  	[tilespmem:$0xE98] =	vst v0  }
0xe5: {  	[tilespmem:$0xEA8] =	vst v0  }
0xe6: {  	[tilespmem:$0xEB8] =	vst v0  }
0xe7: {  	[tilespmem:$0xEC8] =	vst v0  }
0xe8: {  	[tilespmem:$0xED8] =	vst v0  }
0xe9: {  	[tilespmem:$0xEE8] =	vst v0  }
0xea: {  	[tilespmem:$0xEF8] =	vst v0  }
0xeb: {  	[tilespmem:$0xF08] =	vst v0  }
0xec: {  	[tilespmem:$0xF18] =	vst v0  }
0xed: {  	[tilespmem:$0xF28] =	vst v0  }
0xee: {  	[tilespmem:$0xF38] =	vst v0  }
0xef: {  	[tilespmem:$0xF48] =	vst v0  }
0xf0: {  	[tilespmem:$0xF58] =	vst v0  }
0xf1: {  	[tilespmem:$0xF68] =	vst v0  }
0xf2: {  	[tilespmem:$0xF78] =	vst v0  }
0xf3: {  	[tilespmem:$0xF88] =	vst v0  }
0xf4: {  	[tilespmem:$0xF98] =	vst v0  }
0xf5: {  	[tilespmem:$0xFA8] =	vst v0  }
0xf6: {  	[tilespmem:$0xFB8] =	vst v0  }
0xf7: {  	[tilespmem:$0xFC8] =	vst v0  }
0xf8: {  	[tilespmem:$0xFD8] =	vst v0  }
0xf9: {  	[tilespmem:$0xFE8] =	vst v0  }
0xfa: {  	[tilespmem:$0xFF8] =	vst v0  }
0xfb: {  	[tilespmem:$0x1008] =	vst v0  }
0xfc: {  	[tilespmem:$0x1018] =	vst v0  }
0xfd: {  	[tilespmem:$0x1028] =	vst v0  }
0xfe: {  	[tilespmem:$0x1038] =	vst v0  }
0xff: {  	[tilespmem:$0x1048] =	vst v0  }
0x100: {  	[tilespmem:$0x1058] =	vst v0  }
0x101: {  	[tilespmem:$0x1068] =	vst v0  }
0x102: {  	[tilespmem:$0x1078] =	vst v0  }
0x103: {  	[tilespmem:$0x1088] =	vst v0  }
0x104: {  	[tilespmem:$0x1098] =	vst v0  }
0x105: {  	[tilespmem:$0x10A8] =	vst v0  }
0x106: {  	[tilespmem:$0x10B8] =	vst v0  }
0x107: {  	[tilespmem:$0x10C8] =	vst v0  }
0x108: {  	[tilespmem:$0x10D8] =	vst v0  }
0x109: {  	[tilespmem:$0x10E8] =	vst v0  }
0x10a: {  	[tilespmem:$0x10F8] =	vst v0  }
0x10b: {  	[tilespmem:$0x1108] =	vst v0  }
0x10c: {  	[tilespmem:$0x1118] =	vst v0  }
0x10d: {  	[tilespmem:$0x1128] =	vst v0  }
0x10e: {  	[tilespmem:$0x1138] =	vst v0  }
0x10f: {  	[tilespmem:$0x1148] =	vst v0  }
0x110: {  	[tilespmem:$0x1158] =	vst v0  }
0x111: {  	[tilespmem:$0x1168] =	vst v0  }
0x112: {  	[tilespmem:$0x1178] =	vst v0  }
0x113: {  	[tilespmem:$0x1188] =	vst v0  }
0x114: {  	[tilespmem:$0x1198] =	vst v0  }
0x115: {  	[tilespmem:$0x11A8] =	vst v0  }
0x116: {  	[tilespmem:$0x11B8] =	vst v0  }
0x117: {  	[tilespmem:$0x11C8] =	vst v0  }
0x118: {  	[tilespmem:$0x11D8] =	vst v0  }
0x119: {  	[tilespmem:$0x11E8] =	vst v0  }
0x11a: {  	[tilespmem:$0x11F8] =	vst v0  }
0x11b: {  	[tilespmem:$0x1208] =	vst v0  }
0x11c: {  	[tilespmem:$0x1218] =	vst v0  }
0x11d: {  	[tilespmem:$0x1228] =	vst v0  }
0x11e: {  	[tilespmem:$0x1238] =	vst v0  }
0x11f: {  	[tilespmem:$0x1248] =	vst v0  }
0x120: {  	[tilespmem:$0x1258] =	vst v0  }
0x121: {  	[tilespmem:$0x1268] =	vst v0  }
0x122: {  	[tilespmem:$0x1278] =	vst v0  }
0x123: {  	[tilespmem:$0x21A8] =	vst v0  }
0x124: {  	[tilespmem:$0x21B8] =	vst v0  }
0x125: {  	[tilespmem:$0x1288] =	vst v0  }
0x126: {  	[tilespmem:$0x1298] =	vst v0  }
0x127: {  	[tilespmem:$0x12A8] =	vst v0  }
0x128: {  	[tilespmem:$0x12B8] =	vst v0  }
0x129: {  	[tilespmem:$0x12C8] =	vst v0  }
0x12a: {  	[tilespmem:$0x12D8] =	vst v0  }
0x12b: {  	[tilespmem:$0x12E8] =	vst v0  }
0x12c: {  	[tilespmem:$0x12F8] =	vst v0  }
0x12d: {  	[tilespmem:$0x1308] =	vst v0  }
0x12e: {  	[tilespmem:$0x1318] =	vst v0  }
0x12f: {  	[tilespmem:$0x1328] =	vst v0  }
0x130: {  	[tilespmem:$0x1338] =	vst v0  }
0x131: {  	[tilespmem:$0x1348] =	vst v0  }
0x132: {  	[tilespmem:$0x1358] =	vst v0  }
0x133: {  	[tilespmem:$0x1368] =	vst v0  }
0x134: {  	[tilespmem:$0x1378] =	vst v0  }
0x135: {  	[tilespmem:$0x1388] =	vst v0  }
0x136: {  	[tilespmem:$0x1398] =	vst v0  }
0x137: {  	[tilespmem:$0x13A8] =	vst v0  }
0x138: {  	[tilespmem:$0x13B8] =	vst v0  }
0x139: {  	[tilespmem:$0x13C8] =	vst v0  }
0x13a: {  	[tilespmem:$0x13D8] =	vst v0  }
0x13b: {  	[tilespmem:$0x13E8] =	vst v0  }
0x13c: {  	[tilespmem:$0x13F8] =	vst v0  }
0x13d: {  	[tilespmem:$0x1408] =	vst v0  }
0x13e: {  	[tilespmem:$0x1418] =	vst v0  }
0x13f: {  	[tilespmem:$0x1428] =	vst v0  }
0x140: {  	[tilespmem:$0x1438] =	vst v0  }
0x141: {  	[tilespmem:$0x1448] =	vst v0  }
0x142: {  	[tilespmem:$0x1458] =	vst v0  }
0x143: {  	[tilespmem:$0x1468] =	vst v0  }
0x144: {  	[tilespmem:$0x1478] =	vst v0  }
0x145: {  	[tilespmem:$0x1488] =	vst v0  }
0x146: {  	[tilespmem:$0x1498] =	vst v0  }
0x147: {  	[tilespmem:$0x14A8] =	vst v0  }
0x148: {  	[tilespmem:$0x14B8] =	vst v0  }
0x149: {  	[tilespmem:$0x14C8] =	vst v0  }
0x14a: {  	[tilespmem:$0x14D8] =	vst v0  }
0x14b: {  	[tilespmem:$0x14E8] =	vst v0  }
0x14c: {  	[tilespmem:$0x14F8] =	vst v0  }
0x14d: {  	[tilespmem:$0x1508] =	vst v0  }
0x14e: {  	[tilespmem:$0x1518] =	vst v0  }
0x14f: {  	[tilespmem:$0x1528] =	vst v0  }
0x150: {  	[tilespmem:$0x1538] =	vst v0  }
0x151: {  	[tilespmem:$0x1548] =	vst v0  }
0x152: {  	[tilespmem:$0x1558] =	vst v0  }
0x153: {  	[tilespmem:$0x1568] =	vst v0  }
0x154: {  	[tilespmem:$0x1578] =	vst v0  }
0x155: {  	[tilespmem:$0x1588] =	vst v0  }
0x156: {  	[tilespmem:$0x1598] =	vst v0  }
0x157: {  	[tilespmem:$0x15A8] =	vst v0  }
0x158: {  	[tilespmem:$0x15B8] =	vst v0  }
0x159: {  	[tilespmem:$0x15C8] =	vst v0  }
0x15a: {  	[tilespmem:$0x15D8] =	vst v0  }
0x15b: {  	[tilespmem:$0x15E8] =	vst v0  }
0x15c: {  	[tilespmem:$0x15F8] =	vst v0  }
0x15d: {  	[tilespmem:$0x1608] =	vst v0  }
0x15e: {  	[tilespmem:$0x1618] =	vst v0  }
0x15f: {  	[tilespmem:$0x1628] =	vst v0  }
0x160: {  	[tilespmem:$0x1638] =	vst v0  }
0x161: {  	[tilespmem:$0x1648] =	vst v0  }
0x162: {  	[tilespmem:$0x1658] =	vst v0  }
0x163: {  	[tilespmem:$0x1668] =	vst v0  }
0x164: {  	[tilespmem:$0x1678] =	vst v0  }
0x165: {  	[tilespmem:$0x1688] =	vst v0  }
0x166: {  	[tilespmem:$0x1698] =	vst v0  }
0x167: {  	[tilespmem:$0x16A8] =	vst v0  }
0x168: {  	[tilespmem:$0x16B8] =	vst v0  }
0x169: {  	[tilespmem:$0x16C8] =	vst v0  }
0x16a: {  	[tilespmem:$0x16D8] =	vst v0  }
0x16b: {  	[tilespmem:$0x16E8] =	vst v0  }
0x16c: {  	[tilespmem:$0x16F8] =	vst v0  }
0x16d: {  	[tilespmem:$0x1708] =	vst v0  }
0x16e: {  	[tilespmem:$0x1718] =	vst v0  }
0x16f: {  	[tilespmem:$0x1728] =	vst v0  }
0x170: {  	[tilespmem:$0x1738] =	vst v0  }
0x171: {  	[tilespmem:$0x1748] =	vst v0  }
0x172: {  	[tilespmem:$0x1758] =	vst v0  }
0x173: {  	[tilespmem:$0x1768] =	vst v0  }
0x174: {  	[tilespmem:$0x1778] =	vst v0  }
0x175: {  	[tilespmem:$0x1788] =	vst v0  }
0x176: {  	[tilespmem:$0x1798] =	vst v0  }
0x177: {  	[tilespmem:$0x17A8] =	vst v0  }
0x178: {  	[tilespmem:$0x17B8] =	vst v0  }
0x179: {  	[tilespmem:$0x17C8] =	vst v0  }
0x17a: {  	[tilespmem:$0x17D8] =	vst v0  }
0x17b: {  	[tilespmem:$0x17E8] =	vst v0  }
0x17c: {  	[tilespmem:$0x17F8] =	vst v0  }
0x17d: {  	[tilespmem:$0x1808] =	vst v0  }
0x17e: {  	[tilespmem:$0x1818] =	vst v0  }
0x17f: {  	[tilespmem:$0x1828] =	vst v0  }
0x180: {  	[tilespmem:$0x1838] =	vst v0  }
0x181: {  	[tilespmem:$0x1848] =	vst v0  }
0x182: {  	[tilespmem:$0x1858] =	vst v0  }
0x183: {  	[tilespmem:$0x1868] =	vst v0  }
0x184: {  	[tilespmem:$0x1878] =	vst v0  }
0x185: {  	[tilespmem:$0x1888] =	vst v0  }
0x186: {  	[tilespmem:$0x1898] =	vst v0  }
0x187: {  	[tilespmem:$0x18A8] =	vst v0  }
0x188: {  	[tilespmem:$0x18B8] =	vst v0  }
0x189: {  	[tilespmem:$0x18C8] =	vst v0  }
0x18a: {  	[tilespmem:$0x18D8] =	vst v0  }
0x18b: {  	[tilespmem:$0x18E8] =	vst v0  }
0x18c: {  	[tilespmem:$0x18F8] =	vst v0  }
0x18d: {  	[tilespmem:$0x1908] =	vst v0  }
0x18e: {  	[tilespmem:$0x1918] =	vst v0  }
0x18f: {  	[tilespmem:$0x1928] =	vst v0  }
0x190: {  	[tilespmem:$0x1938] =	vst v0  }
0x191: {  	[tilespmem:$0x1948] =	vst v0  }
0x192: {  	[tilespmem:$0x1958] =	vst v0  }
0x193: {  	[tilespmem:$0x1968] =	vst v0  }
0x194: {  	[tilespmem:$0x1978] =	vst v0  }
0x195: {  	[tilespmem:$0x1988] =	vst v0  }
0x196: {  	[tilespmem:$0x1998] =	vst v0  }
0x197: {  	[tilespmem:$0x19A8] =	vst v0  }
0x198: {  	[tilespmem:$0x19B8] =	vst v0  }
0x199: {  	[tilespmem:$0x19C8] =	vst v0  }
0x19a: {  	[tilespmem:$0x19D8] =	vst v0  }
0x19b: {  	[tilespmem:$0x19E8] =	vst v0  }
0x19c: {  	[tilespmem:$0x19F8] =	vst v0  }
0x19d: {  	[tilespmem:$0x1A08] =	vst v0  }
0x19e: {  	[tilespmem:$0x1A18] =	vst v0  }
0x19f: {  	[tilespmem:$0x1A28] =	vst v0  }
0x1a0: {  	[tilespmem:$0x1A38] =	vst v0  }
0x1a1: {  	[tilespmem:$0x1A48] =	vst v0  }
0x1a2: {  	[tilespmem:$0x1A58] =	vst v0  }
0x1a3: {  	[tilespmem:$0x1A68] =	vst v0  }
0x1a4: {  	[tilespmem:$0x1A78] =	vst v0  }
0x1a5: {  	[tilespmem:$0x1A88] =	vst v0  }
0x1a6: {  	[tilespmem:$0x1A98] =	vst v0  }
0x1a7: {  	[tilespmem:$0x1AA8] =	vst v0  }
0x1a8: {  	[tilespmem:$0x1AB8] =	vst v0  }
0x1a9: {  	[tilespmem:$0x1AC8] =	vst v0  }
0x1aa: {  	[tilespmem:$0x1AD8] =	vst v0  }
0x1ab: {  	[tilespmem:$0x1AE8] =	vst v0  }
0x1ac: {  	[tilespmem:$0x1AF8] =	vst v0  }
0x1ad: {  	[tilespmem:$0x1B08] =	vst v0  }
0x1ae: {  	[tilespmem:$0x1B18] =	vst v0  }
0x1af: {  	[tilespmem:$0x1B28] =	vst v0  }
0x1b0: {  	[tilespmem:$0x1B38] =	vst v0  }
0x1b1: {  	[tilespmem:$0x1B48] =	vst v0  }
0x1b2: {  	[tilespmem:$0x1B58] =	vst v0  }
0x1b3: {  	[tilespmem:$0x1B68] =	vst v0  }
0x1b4: {  	[tilespmem:$0x1B78] =	vst v0  }
0x1b5: {  	[tilespmem:$0x1B88] =	vst v0  }
0x1b6: {  	[tilespmem:$0x1B98] =	vst v0  }
0x1b7: {  	[tilespmem:$0x1BA8] =	vst v0  }
0x1b8: {  	[tilespmem:$0x1BB8] =	vst v0  }
0x1b9: {  	[tilespmem:$0x1BC8] =	vst v0  }
0x1ba: {  	[tilespmem:$0x1BD8] =	vst v0  }
0x1bb: {  	[tilespmem:$0x1BE8] =	vst v0  }
0x1bc: {  	[tilespmem:$0x1BF8] =	vst v0  }
0x1bd: {  	[tilespmem:$0x1C08] =	vst v0  }
0x1be: {  	[tilespmem:$0x1C18] =	vst v0  }
0x1bf: {  	[tilespmem:$0x1C28] =	vst v0  }
0x1c0: {  	[tilespmem:$0x1C38] =	vst v0  }
0x1c1: {  	[tilespmem:$0x1C48] =	vst v0  }
0x1c2: {  	[tilespmem:$0x1C58] =	vst v0  }
0x1c3: {  	[tilespmem:$0x1C68] =	vst v0  }
0x1c4: {  	[tilespmem:$0x1C78] =	vst v0  }
0x1c5: {  	[tilespmem:$0x1C88] =	vst v0  }
0x1c6: {  	[tilespmem:$0x1C98] =	vst v0  }
0x1c7: {  	[tilespmem:$0x1CA8] =	vst v0  }
0x1c8: {  	[tilespmem:$0x1CB8] =	vst v0  }
0x1c9: {  	[tilespmem:$0x1CC8] =	vst v0  }
0x1ca: {  	[tilespmem:$0x1CD8] =	vst v0  }
0x1cb: {  	[tilespmem:$0x1CE8] =	vst v0  }
0x1cc: {  	[tilespmem:$0x1CF8] =	vst v0  }
0x1cd: {  	[tilespmem:$0x1D08] =	vst v0  }
0x1ce: {  	[tilespmem:$0x1D18] =	vst v0  }
0x1cf: {  	[tilespmem:$0x1D28] =	vst v0  }
0x1d0: {  	[tilespmem:$0x1D38] =	vst v0  }
0x1d1: {  	[tilespmem:$0x1D48] =	vst v0  }
0x1d2: {  	[tilespmem:$0x1D58] =	vst v0  }
0x1d3: {  	[tilespmem:$0x1D68] =	vst v0  }
0x1d4: {  	[tilespmem:$0x1D78] =	vst v0  }
0x1d5: {  	[tilespmem:$0x1D88] =	vst v0  }
0x1d6: {  	[tilespmem:$0x1D98] =	vst v0  }
0x1d7: {  	[tilespmem:$0x1DA8] =	vst v0  }
0x1d8: {  	[tilespmem:$0x1DB8] =	vst v0  }
0x1d9: {  	[tilespmem:$0x1DC8] =	vst v0  }
0x1da: {  	[tilespmem:$0x1DD8] =	vst v0  }
0x1db: {  	[tilespmem:$0x1DE8] =	vst v0  }
0x1dc: {  	[tilespmem:$0x1DF8] =	vst v0  }
0x1dd: {  	[tilespmem:$0x1E08] =	vst v0  }
0x1de: {  	[tilespmem:$0x1E18] =	vst v0  }
0x1df: {  	[tilespmem:$0x1E28] =	vst v0  }
0x1e0: {  	[tilespmem:$0x1E38] =	vst v0  }
0x1e1: {  	[tilespmem:$0x1E48] =	vst v0  }
0x1e2: {  	[tilespmem:$0x1E58] =	vst v0  }
0x1e3: {  	[tilespmem:$0x1E68] =	vst v0  }
0x1e4: {  	[tilespmem:$0x1E78] =	vst v0  }
0x1e5: {  	[tilespmem:$0x1E88] =	vst v0  }
0x1e6: {  	[tilespmem:$0x1E98] =	vst v0  }
0x1e7: {  	[tilespmem:$0x1EA8] =	vst v0  }
0x1e8: {  	[tilespmem:$0x1EB8] =	vst v0  }
0x1e9: {  	[tilespmem:$0x1EC8] =	vst v0  }
0x1ea: {  	[tilespmem:$0x1ED8] =	vst v0  }
0x1eb: {  	[tilespmem:$0x1EE8] =	vst v0  }
0x1ec: {  	[tilespmem:$0x1EF8] =	vst v0  }
0x1ed: {  	[tilespmem:$0x1F08] =	vst v0  }
0x1ee: {  	[tilespmem:$0x1F18] =	vst v0  }
0x1ef: {  	[tilespmem:$0x1F28] =	vst v0  }
0x1f0: {  	[tilespmem:$0x1F38] =	vst v0  }
0x1f1: {  	[tilespmem:$0x1F48] =	vst v0  }
0x1f2: {  	[tilespmem:$0x1F58] =	vst v0  }
0x1f3: {  	[tilespmem:$0x1F68] =	vst v0  }
0x1f4: {  	[tilespmem:$0x1F78] =	vst v0  }
0x1f5: {  	[tilespmem:$0x1F88] =	vst v0  }
0x1f6: {  	[tilespmem:$0x1F98] =	vst v0  }
0x1f7: {  	[tilespmem:$0x1FA8] =	vst v0  }
0x1f8: {  	[tilespmem:$0x1FB8] =	vst v0  }
0x1f9: {  	[tilespmem:$0x1FC8] =	vst v0  }
0x1fa: {  	[tilespmem:$0x1FD8] =	vst v0  }
0x1fb: {  	[tilespmem:$0x1FE8] =	vst v0  }
0x1fc: {  	[tilespmem:$0x1FF8] =	vst v0  }
0x1fd: {  	[tilespmem:$0x2008] =	vst v0  }
0x1fe: {  	[tilespmem:$0x2018] =	vst v0  }
0x1ff: {  	[tilespmem:$0x2028] =	vst v0  }
0x200: {  	[tilespmem:$0x2038] =	vst v0  }
0x201: {  	[tilespmem:$0x2048] =	vst v0  }
0x202: {  	[tilespmem:$0x2058] =	vst v0  }
0x203: {  	[tilespmem:$0x2068] =	vst v0  }
0x204: {  	[tilespmem:$0x2078] =	vst v0  }
0x205: {  	[tilespmem:$0x2088] =	vst v0  }
0x206: {  	[tilespmem:$0x2098] =	vst v0  }
0x207: {  	[tilespmem:$0x20A8] =	vst v0  }
0x208: {  	[tilespmem:$0x20B8] =	vst v0  }
0x209: {  	[tilespmem:$0x20C8] =	vst v0  }
0x20a: {  	[tilespmem:$0x20D8] =	vst v0  }
0x20b: {  	[tilespmem:$0x20E8] =	vst v0  }
0x20c: {  	[tilespmem:$0x20F8] =	vst v0  }
0x20d: {  	[tilespmem:$0x2108] =	vst v0  }
0x20e: {  	[tilespmem:$0x2118] =	vst v0  }
0x20f: {  	[tilespmem:$0x2128] =	vst v0  }
0x210: {  	[tilespmem:$0x2138] =	vst v0  }
0x211: {  	[tilespmem:$0x2148] =	vst v0  }
0x212: {  	[tilespmem:$0x2158] =	vst v0  }
0x213: {  	[tilespmem:$0x2168] =	vst v0  }
0x214: {  	[tilespmem:$0x2178] =	vst v0  }
0x215: {  	[tilespmem:$0x2188] =	vst v0  }
0x216: {  	[tilespmem:$0x2198] =	vst v0  }
0x217: {  	[tilespmem:$0x21C8] =	vst v0  }
0x218: {  	[tilespmem:$0x21D8] =	vst v0  }
0x219: {  	[tilespmem:$0x21E8] =	vst v0  }
0x21a: {  	[tilespmem:$0x21F8] =	vst v0  }
0x21b: {  	[tilespmem:$0x2208] =	vst v0  }
0x21c: {  	[tilespmem:$0x2218] =	vst v0  }
0x21d: {  	[tilespmem:$0x2228] =	vst v0  }
0x21e: {  	[tilespmem:$0x2238] =	vst v0  }
0x21f: {  	[tilespmem:$0x2248] =	vst v0  }
0x220: {  	[tilespmem:$0x2258] =	vst v0  }
0x221: {  	[tilespmem:$0x2268] =	vst v0  }
0x222: {  	[tilespmem:$0x2278] =	vst v0  }
0x223: {  	[tilespmem:$0x2288] =	vst v0  }
0x224: {  	[tilespmem:$0x2298] =	vst v0  }
0x225: {  	[tilespmem:$0x22A8] =	vst v0  }
0x226: {  	[tilespmem:$0x22B8] =	vst v0  }
0x227: {  	[tilespmem:$0x22C8] =	vst v0  }
0x228: {  	[tilespmem:$0x22D8] =	vst v0  }
0x229: {  	[tilespmem:$0x22E8] =	vst v0  }
0x22a: {  	[tilespmem:$0x22F8] =	vst v0  }
0x22b: {  	[tilespmem:$0x2308] =	vst v0  }
0x22c: {  	[tilespmem:$0x2318] =	vst v0  }
0x22d: {  	[tilespmem:$0x2328] =	vst v0  }
0x22e: {  	[tilespmem:$0x2338] =	vst v0  }
0x22f: {  	[tilespmem:$0x2348] =	vst v0  }
0x230: {  	[tilespmem:$0x2358] =	vst v0  }
0x231: {  	[tilespmem:$0x2368] =	vst v0  }
0x232: {  	[tilespmem:$0x2378] =	vst v0  }
0x233: {  	[tilespmem:$0x2388] =	vst v0  }
0x234: {  	[tilespmem:$0x2398] =	vst v0  }
0x235: {  	[tilespmem:$0x23A8] =	vst v0  }
0x236: {  	[tilespmem:$0x23B8] =	vst v0  }
0x237: {  	[tilespmem:$0x23C8] =	vst v0  }
0x238: {  	[tilespmem:$0x23D8] =	vst v0  }
0x239: {  	[tilespmem:$0x23E8] =	vst v0  }
0x23a: {  	[tilespmem:$0x23F8] =	vst v0  }
0x23b: {  	[tilespmem:$0x2408] =	vst v0  }
0x23c: {  	[tilespmem:$0x2418] =	vst v0  }
0x23d: {  	[tilespmem:$0x2428] =	vst v0  }
0x23e: {  	[tilespmem:$0x2438] =	vst v0  }
0x23f: {  	[tilespmem:$0x2448] =	vst v0  }
0x240: {  	[tilespmem:$0x2458] =	vst v0  }
0x241: {  	[tilespmem:$0x2468] =	vst v0  }
0x242: {  	[tilespmem:$0x2478] =	vst v0  }
0x243: {  	[tilespmem:$0x2488] =	vst v0  }
0x244: {  	[tilespmem:$0x2498] =	vst v0  }
0x245: {  	[tilespmem:$0x24A8] =	vst v0  }
0x246: {  	[tilespmem:$0x24B8] =	vst v0  }
0x247: {  	[tilespmem:$0x24C8] =	vst v0  }
0x248: {  	[tilespmem:$0x24D8] =	vst v0  }
0x249: {  	[tilespmem:$0x24E8] =	vst v0  }
0x24a: {  	[tilespmem:$0x24F8] =	vst v0  }
0x24b: {  	[tilespmem:$0x2508] =	vst v0  }
0x24c: {  	[tilespmem:$0x2518] =	vst v0  }
0x24d: {  	[tilespmem:$0x2528] =	vst v0  }
0x24e: {  	[tilespmem:$0x2538] =	vst v0  }
0x24f: {  	[tilespmem:$0x2548] =	vst v0  }
0x250: {  	[tilespmem:$0x2558] =	vst v0  }
0x251: {  	[tilespmem:$0x2568] =	vst v0  }
0x252: {  	[tilespmem:$0x2578] =	vst v0  }
0x253: {  	[tilespmem:$0x2588] =	vst v0  }
0x254: {  	[tilespmem:$0x2598] =	vst v0  }
0x255: {  	[tilespmem:$0x25A8] =	vst v0  }
0x256: {  	[tilespmem:$0x25B8] =	vst v0  }
0x257: {  	[tilespmem:$0x25C8] =	vst v0  }
0x258: {  	[tilespmem:$0x25D8] =	vst v0  }
0x259: {  	[tilespmem:$0x25E8] =	vst v0  }
0x25a: {  	[tilespmem:$0x25F8] =	vst v0  }
0x25b: {  	[tilespmem:$0x2608] =	vst v0  }
0x25c: {  	[tilespmem:$0x2618] =	vst v0  }
0x25d: {  	[tilespmem:$0x2628] =	vst v0  }
0x25e: {  	[tilespmem:$0x2638] =	vst v0  }
0x25f: {  	[tilespmem:$0x2648] =	vst v0  }
0x260: {  	[tilespmem:$0x2658] =	vst v0  }
0x261: {  	[tilespmem:$0x2668] =	vst v0  }
0x262: {  	[tilespmem:$0x2678] =	vst v0  }
0x263: {  	[tilespmem:$0x2688] =	vst v0  }
0x264: {  	[tilespmem:$0x2698] =	vst v0  }
0x265: {  	[tilespmem:$0x26A8] =	vst v0  }
0x266: {  	[tilespmem:$0x26B8] =	vst v0  }
0x267: {  	[tilespmem:$0x26C8] =	vst v0  }
0x268: {  	[tilespmem:$0x26D8] =	vst v0  }
0x269: {  	[tilespmem:$0x26E8] =	vst v0  }
0x26a: {  	[tilespmem:$0x26F8] =	vst v0  }
0x26b: {  	[tilespmem:$0x2708] =	vst v0  }
0x26c: {  	[tilespmem:$0x2718] =	vst v0  }
0x26d: {  	[tilespmem:$0x2728] =	vst v0  }
0x26e: {  	[tilespmem:$0x2738] =	vst v0  }
0x26f: {  	[tilespmem:$0x2748] =	vst v0  }
0x270: {  	[tilespmem:$0x2758] =	vst v0  }
0x271: {  	[tilespmem:$0x2768] =	vst v0  }
0x272: {  	[tilespmem:$0x2778] =	vst v0  }
0x273: {  	[tilespmem:$0x2788] =	vst v0  }
0x274: {  	[tilespmem:$0x2798] =	vst v0  }
0x275: {  	[tilespmem:$0x27A8] =	vst v0  }
0x276: {  	[tilespmem:$0x27B8] =	vst v0  }
0x277: {  	[tilespmem:$0x27C8] =	vst v0  }
0x278: {  	[tilespmem:$0x27D8] =	vst v0  }
0x279: {  	[tilespmem:$0x27E8] =	vst v0  }
0x27a: {  	[tilespmem:$0x27F8] =	vst v0  }
0x27b: {  	[tilespmem:$0x2808] =	vst v0  }
0x27c: {  	[tilespmem:$0x2818] =	vst v0  }
0x27d: {  	[tilespmem:$0x2828] =	vst v0  }
0x27e: {  	[tilespmem:$0x2838] =	vst v0  }
0x27f: {  	[tilespmem:$0x2848] =	vst v0  }
0x280: {  	[tilespmem:$0x2858] =	vst v0  }
0x281: {  	[tilespmem:$0x2868] =	vst v0  }
0x282: {  	[tilespmem:$0x2878] =	vst v0  }
0x283: {  	[tilespmem:$0x2888] =	vst v0  }
0x284: {  	[tilespmem:$0x2898] =	vst v0  }
0x285: {  	[tilespmem:$0x28A8] =	vst v0  }
0x286: {  	[tilespmem:$0x28B8] =	vst v0  }
0x287: {  	[tilespmem:$0x28C8] =	vst v0  }
0x288: {  	[tilespmem:$0x28D8] =	vst v0  }
0x289: {  	[tilespmem:$0x28E8] =	vst v0  }
0x28a: {  	[tilespmem:$0x28F8] =	vst v0  }
0x28b: {  	[tilespmem:$0x2908] =	vst v0  }
0x28c: {  	[tilespmem:$0x2918] =	vst v0  }
0x28d: {  	[tilespmem:$0x2928] =	vst v0  }
0x28e: {  	[tilespmem:$0x2938] =	vst v0  }
0x28f: {  	[tilespmem:$0x2948] =	vst v0  }
0x290: {  	[tilespmem:$0x2958] =	vst v0  }
0x291: {  	[tilespmem:$0x2968] =	vst v0  }
0x292: {  	[tilespmem:$0x2978] =	vst v0  }
0x293: {  	[tilespmem:$0x2988] =	vst v0  }
0x294: {  	[tilespmem:$0x2998] =	vst v0  }
0x295: {  	[tilespmem:$0x29A8] =	vst v0  }
0x296: {  	[tilespmem:$0x29B8] =	vst v0  }
0x297: {  	[tilespmem:$0x29C8] =	vst v0  }
0x298: {  	[tilespmem:$0x29D8] =	vst v0  }
0x299: {  	[tilespmem:$0x29E8] =	vst v0  }
0x29a: {  	[tilespmem:$0x29F8] =	vst v0  }
0x29b: {  	[tilespmem:$0x2A08] =	vst v0  }
0x29c: {  	[tilespmem:$0x2A18] =	vst v0  }
0x29d: {  	[tilespmem:$0x2A28] =	vst v0  }
0x29e: {  	[tilespmem:$0x2A38] =	vst v0  }
0x29f: {  	[tilespmem:$0x2A48] =	vst v0  }
0x2a0: {  	[tilespmem:$0x2A58] =	vst v0  }
0x2a1: {  	[tilespmem:$0x2A68] =	vst v0  }
0x2a2: {  	[tilespmem:$0x2A78] =	vst v0  }
0x2a3: {  	[tilespmem:$0x2A88] =	vst v0  }
0x2a4: {  	[tilespmem:$0x2A98] =	vst v0  }
0x2a5: {  	[tilespmem:$0x2AA8] =	vst v0  }
0x2a6: {  	[tilespmem:$0x2AB8] =	vst v0  }
0x2a7: {  	[tilespmem:$0x2AC8] =	vst v0  }
0x2a8: {  	[tilespmem:$0x2AD8] =	vst v0  }
0x2a9: {  	[tilespmem:$0x2AE8] =	vst v0  }
0x2aa: {  	[tilespmem:$0x2AF8] =	vst v0  }
0x2ab: {  	[tilespmem:$0x2B08] =	vst v0  }
0x2ac: {  	[tilespmem:$0x2B18] =	vst v0  }
0x2ad: {  	[tilespmem:$0x2B28] =	vst v0  }
0x2ae: {  	[tilespmem:$0x2B38] =	vst v0  }
0x2af: {  	[tilespmem:$0x2B48] =	vst v0  }
0x2b0: {  	[tilespmem:$0x2B58] =	vst v0  }
0x2b1: {  	[tilespmem:$0x2B68] =	vst v0  }
0x2b2: {  	[tilespmem:$0x2B78] =	vst v0  }
0x2b3: {  	[tilespmem:$0x2B88] =	vst v0  }
0x2b4: {  	[tilespmem:$0x2B98] =	vst v0  }
0x2b5: {  	[tilespmem:$0x2BA8] =	vst v0  }
0x2b6: {  	[tilespmem:$0x2BB8] =	vst v0  }
0x2b7: {  	[tilespmem:$0x2BC8] =	vst v0  }
0x2b8: {  	[tilespmem:$0x2BD8] =	vst v0  }
0x2b9: {  	[tilespmem:$0x2BE8] =	vst v0  }
0x2ba: {  	[tilespmem:$0x2BF8] =	vst v0  }
0x2bb: {  	[tilespmem:$0x2C08] =	vst v0  }
0x2bc: {  	[tilespmem:$0x2C18] =	vst v0  }
0x2bd: {  	[tilespmem:$0x2C28] =	vst v0  }
0x2be: {  	[tilespmem:$0x2C38] =	vst v0  }
0x2bf: {  	[tilespmem:$0x2C48] =	vst v0  }
0x2c0: {  	[tilespmem:$0x2C58] =	vst v0  }
0x2c1: {  	[tilespmem:$0x2C68] =	vst v0  }
0x2c2: {  	[tilespmem:$0x2C78] =	vst v0  }
0x2c3: {  	[tilespmem:$0x2C88] =	vst v0  }
0x2c4: {  	[tilespmem:$0x2C98] =	vst v0  }
0x2c5: {  	[tilespmem:$0x2CA8] =	vst v0  }
0x2c6: {  	[tilespmem:$0x2CB8] =	vst v0  }
0x2c7: {  	[tilespmem:$0x2CC8] =	vst v0  }
0x2c8: {  	[tilespmem:$0x2CD8] =	vst v0  }
0x2c9: {  	[tilespmem:$0x2CE8] =	vst v0  }
0x2ca: {  	[tilespmem:$0x2CF8] =	vst v0  }
0x2cb: {  	[tilespmem:$0x2D08] =	vst v0  }
0x2cc: {  	[tilespmem:$0x2D18] =	vst v0  }
0x2cd: {  	[tilespmem:$0x2D28] =	vst v0  }
0x2ce: {  	[tilespmem:$0x2D38] =	vst v0  }
0x2cf: {  	[tilespmem:$0x2D48] =	vst v0  }
0x2d0: {  	[tilespmem:$0x2D58] =	vst v0  }
0x2d1: {  	[tilespmem:$0x2D68] =	vst v0  }
0x2d2: {  	[tilespmem:$0x2D78] =	vst v0  }
0x2d3: {  	[tilespmem:$0x2D88] =	vst v0  }
0x2d4: {  	[tilespmem:$0x2D98] =	vst v0  }
0x2d5: {  	[tilespmem:$0x2DA8] =	vst v0  }
0x2d6: {  	[tilespmem:$0x2DB8] =	vst v0  }
0x2d7: {  	[tilespmem:$0x2DC8] =	vst v0  }
0x2d8: {  	[tilespmem:$0x2DD8] =	vst v0  }
0x2d9: {  	[tilespmem:$0x2DE8] =	vst v0  }
0x2da: {  	[tilespmem:$0x2DF8] =	vst v0  }
0x2db: {  	[tilespmem:$0x2E08] =	vst v0  }
0x2dc: {  	[tilespmem:$0x2E18] =	vst v0  }
0x2dd: {  	[tilespmem:$0x2E28] =	vst v0  }
0x2de: {  	[tilespmem:$0x2E38] =	vst v0  }
0x2df: {  	[tilespmem:$0x2E48] =	vst v0  }
0x2e0: {  	[tilespmem:$0x2E58] =	vst v0  }
0x2e1: {  	[tilespmem:$0x2E68] =	vst v0  }
0x2e2: {  	[tilespmem:$0x2E78] =	vst v0  }
0x2e3: {  	[tilespmem:$0x2E88] =	vst v0  }
0x2e4: {  	[tilespmem:$0x2E98] =	vst v0  }
0x2e5: {  	[tilespmem:$0x2EA8] =	vst v0  }
0x2e6: {  	[tilespmem:$0x2EB8] =	vst v0  }
0x2e7: {  	[tilespmem:$0x2EC8] =	vst v0  }
0x2e8: {  	[tilespmem:$0x2ED8] =	vst v0  }
0x2e9: {  	[tilespmem:$0x2EE8] =	vst v0  }
0x2ea: {  	[tilespmem:$0x2EF8] =	vst v0  }
0x2eb: {  	[tilespmem:$0x2F08] =	vst v0  }
0x2ec: {  	[tilespmem:$0x2F18] =	vst v0  }
0x2ed: {  	[tilespmem:$0x2F28] =	vst v0  }
0x2ee: {  	[tilespmem:$0x2F38] =	vst v0  }
0x2ef: {  	[tilespmem:$0x2F48] =	vst v0  }
0x2f0: {  	[tilespmem:$0x2F58] =	vst v0  }
0x2f1: {  	[tilespmem:$0x2F68] =	vst v0  }
0x2f2: {  	[tilespmem:$0x2F78] =	vst v0  }
0x2f3: {  	[tilespmem:$0x2F88] =	vst v0  }
0x2f4: {  	[tilespmem:$0x2F98] =	vst v0  }
0x2f5: {  	[tilespmem:$0x2FA8] =	vst v0  }
0x2f6: {  	[tilespmem:$0x2FB8] =	vst v0  }
0x2f7: {  	[tilespmem:$0x2FC8] =	vst v0  }
0x2f8: {  	[tilespmem:$0x2FD8] =	vst v0  }
0x2f9: {  	[tilespmem:$0x2FE8] =	vst v0  }
0x2fa: {  	[tilespmem:$0x2FF8] =	vst v0  }
0x2fb: {  	[tilespmem:$0x3008] =	vst v0  }
0x2fc: {  	[tilespmem:$0x3018] =	vst v0  }
0x2fd: {  	[tilespmem:$0x3028] =	vst v0  }
0x2fe: {  	[tilespmem:$0x3038] =	vst v0  }
0x2ff: {  	[tilespmem:$0x3048] =	vst v0  }
0x300: {  	[tilespmem:$0x3058] =	vst v0  }
0x301: {  	[tilespmem:$0x3068] =	vst v0  }
0x302: {  	[tilespmem:$0x3078] =	vst v0  }
0x303: {  	[tilespmem:$0x3088] =	vst v0  }
0x304: {  	[tilespmem:$0x3098] =	vst v0  }
0x305: {  	[tilespmem:$0x30A8] =	vst v0  }
0x306: {  	[tilespmem:$0x30B8] =	vst v0  }
0x307: {  	[tilespmem:$0x30C8] =	vst v0  }
0x308: {  	[tilespmem:$0x30D8] =	vst v0  }
0x309: {  	[tilespmem:$0x30E8] =	vst v0  }
0x30a: {  	[tilespmem:$0x30F8] =	vst v0  }
0x30b: {  	[tilespmem:$0x3108] =	vst v0  }
0x30c: {  	[tilespmem:$0x3118] =	vst v0  }
0x30d: {  	[tilespmem:$0x3128] =	vst v0  }
0x30e: {  	[tilespmem:$0x3138] =	vst v0  }
0x30f: {  	[tilespmem:$0x3148] =	vst v0  }
0x310: {  	[tilespmem:$0x3158] =	vst v0  }
0x311: {  	[tilespmem:$0x3168] =	vst v0  }
0x312: {  	[tilespmem:$0x3178] =	vst v0  }
0x313: {  	[tilespmem:$0x3188] =	vst v0  }
0x314: {  	[tilespmem:$0x3198] =	vst v0  }
0x315: {  	[tilespmem:$0x31A8] =	vst v0  }
0x316: {  	[tilespmem:$0x31B8] =	vst v0  }
0x317: {  	[tilespmem:$0x40E8] =	vst v0  }
0x318: {  	[tilespmem:$0x40F8] =	vst v0  }
0x319: {  	[tilespmem:$0x31C8] =	vst v0  }
0x31a: {  	[tilespmem:$0x31D8] =	vst v0  }
0x31b: {  	[tilespmem:$0x31E8] =	vst v0  }
0x31c: {  	[tilespmem:$0x31F8] =	vst v0  }
0x31d: {  	[tilespmem:$0x3208] =	vst v0  }
0x31e: {  	[tilespmem:$0x3218] =	vst v0  }
0x31f: {  	[tilespmem:$0x3228] =	vst v0  }
0x320: {  	[tilespmem:$0x3238] =	vst v0  }
0x321: {  	[tilespmem:$0x3248] =	vst v0  }
0x322: {  	[tilespmem:$0x3258] =	vst v0  }
0x323: {  	[tilespmem:$0x3268] =	vst v0  }
0x324: {  	[tilespmem:$0x3278] =	vst v0  }
0x325: {  	[tilespmem:$0x3288] =	vst v0  }
0x326: {  	[tilespmem:$0x3298] =	vst v0  }
0x327: {  	[tilespmem:$0x32A8] =	vst v0  }
0x328: {  	[tilespmem:$0x32B8] =	vst v0  }
0x329: {  	[tilespmem:$0x32C8] =	vst v0  }
0x32a: {  	[tilespmem:$0x32D8] =	vst v0  }
0x32b: {  	[tilespmem:$0x32E8] =	vst v0  }
0x32c: {  	[tilespmem:$0x32F8] =	vst v0  }
0x32d: {  	[tilespmem:$0x3308] =	vst v0  }
0x32e: {  	[tilespmem:$0x3318] =	vst v0  }
0x32f: {  	[tilespmem:$0x3328] =	vst v0  }
0x330: {  	[tilespmem:$0x3338] =	vst v0  }
0x331: {  	[tilespmem:$0x3348] =	vst v0  }
0x332: {  	[tilespmem:$0x3358] =	vst v0  }
0x333: {  	[tilespmem:$0x3368] =	vst v0  }
0x334: {  	[tilespmem:$0x3378] =	vst v0  }
0x335: {  	[tilespmem:$0x3388] =	vst v0  }
0x336: {  	[tilespmem:$0x3398] =	vst v0  }
0x337: {  	[tilespmem:$0x33A8] =	vst v0  }
0x338: {  	[tilespmem:$0x33B8] =	vst v0  }
0x339: {  	[tilespmem:$0x33C8] =	vst v0  }
0x33a: {  	[tilespmem:$0x33D8] =	vst v0  }
0x33b: {  	[tilespmem:$0x33E8] =	vst v0  }
0x33c: {  	[tilespmem:$0x33F8] =	vst v0  }
0x33d: {  	[tilespmem:$0x3408] =	vst v0  }
0x33e: {  	[tilespmem:$0x3418] =	vst v0  }
0x33f: {  	[tilespmem:$0x3428] =	vst v0  }
0x340: {  	[tilespmem:$0x3438] =	vst v0  }
0x341: {  	[tilespmem:$0x3448] =	vst v0  }
0x342: {  	[tilespmem:$0x3458] =	vst v0  }
0x343: {  	[tilespmem:$0x3468] =	vst v0  }
0x344: {  	[tilespmem:$0x3478] =	vst v0  }
0x345: {  	[tilespmem:$0x3488] =	vst v0  }
0x346: {  	[tilespmem:$0x3498] =	vst v0  }
0x347: {  	[tilespmem:$0x34A8] =	vst v0  }
0x348: {  	[tilespmem:$0x34B8] =	vst v0  }
0x349: {  	[tilespmem:$0x34C8] =	vst v0  }
0x34a: {  	[tilespmem:$0x34D8] =	vst v0  }
0x34b: {  	[tilespmem:$0x34E8] =	vst v0  }
0x34c: {  	[tilespmem:$0x34F8] =	vst v0  }
0x34d: {  	[tilespmem:$0x3508] =	vst v0  }
0x34e: {  	[tilespmem:$0x3518] =	vst v0  }
0x34f: {  	[tilespmem:$0x3528] =	vst v0  }
0x350: {  	[tilespmem:$0x3538] =	vst v0  }
0x351: {  	[tilespmem:$0x3548] =	vst v0  }
0x352: {  	[tilespmem:$0x3558] =	vst v0  }
0x353: {  	[tilespmem:$0x3568] =	vst v0  }
0x354: {  	[tilespmem:$0x3578] =	vst v0  }
0x355: {  	[tilespmem:$0x3588] =	vst v0  }
0x356: {  	[tilespmem:$0x3598] =	vst v0  }
0x357: {  	[tilespmem:$0x35A8] =	vst v0  }
0x358: {  	[tilespmem:$0x35B8] =	vst v0  }
0x359: {  	[tilespmem:$0x35C8] =	vst v0  }
0x35a: {  	[tilespmem:$0x35D8] =	vst v0  }
0x35b: {  	[tilespmem:$0x35E8] =	vst v0  }
0x35c: {  	[tilespmem:$0x35F8] =	vst v0  }
0x35d: {  	[tilespmem:$0x3608] =	vst v0  }
0x35e: {  	[tilespmem:$0x3618] =	vst v0  }
0x35f: {  	[tilespmem:$0x3628] =	vst v0  }
0x360: {  	[tilespmem:$0x3638] =	vst v0  }
0x361: {  	[tilespmem:$0x3648] =	vst v0  }
0x362: {  	[tilespmem:$0x3658] =	vst v0  }
0x363: {  	[tilespmem:$0x3668] =	vst v0  }
0x364: {  	[tilespmem:$0x3678] =	vst v0  }
0x365: {  	[tilespmem:$0x3688] =	vst v0  }
0x366: {  	[tilespmem:$0x3698] =	vst v0  }
0x367: {  	[tilespmem:$0x36A8] =	vst v0  }
0x368: {  	[tilespmem:$0x36B8] =	vst v0  }
0x369: {  	[tilespmem:$0x36C8] =	vst v0  }
0x36a: {  	[tilespmem:$0x36D8] =	vst v0  }
0x36b: {  	[tilespmem:$0x36E8] =	vst v0  }
0x36c: {  	[tilespmem:$0x36F8] =	vst v0  }
0x36d: {  	[tilespmem:$0x3708] =	vst v0  }
0x36e: {  	[tilespmem:$0x3718] =	vst v0  }
0x36f: {  	[tilespmem:$0x3728] =	vst v0  }
0x370: {  	[tilespmem:$0x3738] =	vst v0  }
0x371: {  	[tilespmem:$0x3748] =	vst v0  }
0x372: {  	[tilespmem:$0x3758] =	vst v0  }
0x373: {  	[tilespmem:$0x3768] =	vst v0  }
0x374: {  	[tilespmem:$0x3778] =	vst v0  }
0x375: {  	[tilespmem:$0x3788] =	vst v0  }
0x376: {  	[tilespmem:$0x3798] =	vst v0  }
0x377: {  	[tilespmem:$0x37A8] =	vst v0  }
0x378: {  	[tilespmem:$0x37B8] =	vst v0  }
0x379: {  	[tilespmem:$0x37C8] =	vst v0  }
0x37a: {  	[tilespmem:$0x37D8] =	vst v0  }
0x37b: {  	[tilespmem:$0x37E8] =	vst v0  }
0x37c: {  	[tilespmem:$0x37F8] =	vst v0  }
0x37d: {  	[tilespmem:$0x3808] =	vst v0  }
0x37e: {  	[tilespmem:$0x3818] =	vst v0  }
0x37f: {  	[tilespmem:$0x3828] =	vst v0  }
0x380: {  	[tilespmem:$0x3838] =	vst v0  }
0x381: {  	[tilespmem:$0x3848] =	vst v0  }
0x382: {  	[tilespmem:$0x3858] =	vst v0  }
0x383: {  	[tilespmem:$0x3868] =	vst v0  }
0x384: {  	[tilespmem:$0x3878] =	vst v0  }
0x385: {  	[tilespmem:$0x3888] =	vst v0  }
0x386: {  	[tilespmem:$0x3898] =	vst v0  }
0x387: {  	[tilespmem:$0x38A8] =	vst v0  }
0x388: {  	[tilespmem:$0x38B8] =	vst v0  }
0x389: {  	[tilespmem:$0x38C8] =	vst v0  }
0x38a: {  	[tilespmem:$0x38D8] =	vst v0  }
0x38b: {  	[tilespmem:$0x38E8] =	vst v0  }
0x38c: {  	[tilespmem:$0x38F8] =	vst v0  }
0x38d: {  	[tilespmem:$0x3908] =	vst v0  }
0x38e: {  	[tilespmem:$0x3918] =	vst v0  }
0x38f: {  	[tilespmem:$0x3928] =	vst v0  }
0x390: {  	[tilespmem:$0x3938] =	vst v0  }
0x391: {  	[tilespmem:$0x3948] =	vst v0  }
0x392: {  	[tilespmem:$0x3958] =	vst v0  }
0x393: {  	[tilespmem:$0x3968] =	vst v0  }
0x394: {  	[tilespmem:$0x3978] =	vst v0  }
0x395: {  	[tilespmem:$0x3988] =	vst v0  }
0x396: {  	[tilespmem:$0x3998] =	vst v0  }
0x397: {  	[tilespmem:$0x39A8] =	vst v0  }
0x398: {  	[tilespmem:$0x39B8] =	vst v0  }
0x399: {  	[tilespmem:$0x39C8] =	vst v0  }
0x39a: {  	[tilespmem:$0x39D8] =	vst v0  }
0x39b: {  	[tilespmem:$0x39E8] =	vst v0  }
0x39c: {  	[tilespmem:$0x39F8] =	vst v0  }
0x39d: {  	[tilespmem:$0x3A08] =	vst v0  }
0x39e: {  	[tilespmem:$0x3A18] =	vst v0  }
0x39f: {  	[tilespmem:$0x3A28] =	vst v0  }
0x3a0: {  	[tilespmem:$0x3A38] =	vst v0  }
0x3a1: {  	[tilespmem:$0x3A48] =	vst v0  }
0x3a2: {  	[tilespmem:$0x3A58] =	vst v0  }
0x3a3: {  	[tilespmem:$0x3A68] =	vst v0  }
0x3a4: {  	[tilespmem:$0x3A78] =	vst v0  }
0x3a5: {  	[tilespmem:$0x3A88] =	vst v0  }
0x3a6: {  	[tilespmem:$0x3A98] =	vst v0  }
0x3a7: {  	[tilespmem:$0x3AA8] =	vst v0  }
0x3a8: {  	[tilespmem:$0x3AB8] =	vst v0  }
0x3a9: {  	[tilespmem:$0x3AC8] =	vst v0  }
0x3aa: {  	[tilespmem:$0x3AD8] =	vst v0  }
0x3ab: {  	[tilespmem:$0x3AE8] =	vst v0  }
0x3ac: {  	[tilespmem:$0x3AF8] =	vst v0  }
0x3ad: {  	[tilespmem:$0x3B08] =	vst v0  }
0x3ae: {  	[tilespmem:$0x3B18] =	vst v0  }
0x3af: {  	[tilespmem:$0x3B28] =	vst v0  }
0x3b0: {  	[tilespmem:$0x3B38] =	vst v0  }
0x3b1: {  	[tilespmem:$0x3B48] =	vst v0  }
0x3b2: {  	[tilespmem:$0x3B58] =	vst v0  }
0x3b3: {  	[tilespmem:$0x3B68] =	vst v0  }
0x3b4: {  	[tilespmem:$0x3B78] =	vst v0  }
0x3b5: {  	[tilespmem:$0x3B88] =	vst v0  }
0x3b6: {  	[tilespmem:$0x3B98] =	vst v0  }
0x3b7: {  	[tilespmem:$0x3BA8] =	vst v0  }
0x3b8: {  	[tilespmem:$0x3BB8] =	vst v0  }
0x3b9: {  	[tilespmem:$0x3BC8] =	vst v0  }
0x3ba: {  	[tilespmem:$0x3BD8] =	vst v0  }
0x3bb: {  	[tilespmem:$0x3BE8] =	vst v0  }
0x3bc: {  	[tilespmem:$0x3BF8] =	vst v0  }
0x3bd: {  	[tilespmem:$0x3C08] =	vst v0  }
0x3be: {  	[tilespmem:$0x3C18] =	vst v0  }
0x3bf: {  	[tilespmem:$0x3C28] =	vst v0  }
0x3c0: {  	[tilespmem:$0x3C38] =	vst v0  }
0x3c1: {  	[tilespmem:$0x3C48] =	vst v0  }
0x3c2: {  	[tilespmem:$0x3C58] =	vst v0  }
0x3c3: {  	[tilespmem:$0x3C68] =	vst v0  }
0x3c4: {  	[tilespmem:$0x3C78] =	vst v0  }
0x3c5: {  	[tilespmem:$0x3C88] =	vst v0  }
0x3c6: {  	[tilespmem:$0x3C98] =	vst v0  }
0x3c7: {  	[tilespmem:$0x3CA8] =	vst v0  }
0x3c8: {  	[tilespmem:$0x3CB8] =	vst v0  }
0x3c9: {  	[tilespmem:$0x3CC8] =	vst v0  }
0x3ca: {  	[tilespmem:$0x3CD8] =	vst v0  }
0x3cb: {  	[tilespmem:$0x3CE8] =	vst v0  }
0x3cc: {  	[tilespmem:$0x3CF8] =	vst v0  }
0x3cd: {  	[tilespmem:$0x3D08] =	vst v0  }
0x3ce: {  	[tilespmem:$0x3D18] =	vst v0  }
0x3cf: {  	[tilespmem:$0x3D28] =	vst v0  }
0x3d0: {  	[tilespmem:$0x3D38] =	vst v0  }
0x3d1: {  	[tilespmem:$0x3D48] =	vst v0  }
0x3d2: {  	[tilespmem:$0x3D58] =	vst v0  }
0x3d3: {  	[tilespmem:$0x3D68] =	vst v0  }
0x3d4: {  	[tilespmem:$0x3D78] =	vst v0  }
0x3d5: {  	[tilespmem:$0x3D88] =	vst v0  }
0x3d6: {  	[tilespmem:$0x3D98] =	vst v0  }
0x3d7: {  	[tilespmem:$0x3DA8] =	vst v0  }
0x3d8: {  	[tilespmem:$0x3DB8] =	vst v0  }
0x3d9: {  	[tilespmem:$0x3DC8] =	vst v0  }
0x3da: {  	[tilespmem:$0x3DD8] =	vst v0  }
0x3db: {  	[tilespmem:$0x3DE8] =	vst v0  }
0x3dc: {  	[tilespmem:$0x3DF8] =	vst v0  }
0x3dd: {  	[tilespmem:$0x3E08] =	vst v0  }
0x3de: {  	[tilespmem:$0x3E18] =	vst v0  }
0x3df: {  	[tilespmem:$0x3E28] =	vst v0  }
0x3e0: {  	[tilespmem:$0x3E38] =	vst v0  }
0x3e1: {  	[tilespmem:$0x3E48] =	vst v0  }
0x3e2: {  	[tilespmem:$0x3E58] =	vst v0  }
0x3e3: {  	[tilespmem:$0x3E68] =	vst v0  }
0x3e4: {  	[tilespmem:$0x3E78] =	vst v0  }
0x3e5: {  	[tilespmem:$0x3E88] =	vst v0  }
0x3e6: {  	[tilespmem:$0x3E98] =	vst v0  }
0x3e7: {  	[tilespmem:$0x3EA8] =	vst v0  }
0x3e8: {  	[tilespmem:$0x3EB8] =	vst v0  }
0x3e9: {  	[tilespmem:$0x3EC8] =	vst v0  }
0x3ea: {  	[tilespmem:$0x3ED8] =	vst v0  }
0x3eb: {  	[tilespmem:$0x3EE8] =	vst v0  }
0x3ec: {  	[tilespmem:$0x3EF8] =	vst v0  }
0x3ed: {  	[tilespmem:$0x3F08] =	vst v0  }
0x3ee: {  	[tilespmem:$0x3F18] =	vst v0  }
0x3ef: {  	[tilespmem:$0x3F28] =	vst v0  }
0x3f0: {  	[tilespmem:$0x3F38] =	vst v0  }
0x3f1: {  	[tilespmem:$0x3F48] =	vst v0  }
0x3f2: {  	[tilespmem:$0x3F58] =	vst v0  }
0x3f3: {  	[tilespmem:$0x3F68] =	vst v0  }
0x3f4: {  	[tilespmem:$0x3F78] =	vst v0  }
0x3f5: {  	[tilespmem:$0x3F88] =	vst v0  }
0x3f6: {  	[tilespmem:$0x3F98] =	vst v0  }
0x3f7: {  	[tilespmem:$0x3FA8] =	vst v0  }
0x3f8: {  	[tilespmem:$0x3FB8] =	vst v0  }
0x3f9: {  	[tilespmem:$0x3FC8] =	vst v0  }
0x3fa: {  	[tilespmem:$0x3FD8] =	vst v0  }
0x3fb: {  	[tilespmem:$0x3FE8] =	vst v0  }
0x3fc: {  	[tilespmem:$0x3FF8] =	vst v0  }
0x3fd: {  	[tilespmem:$0x4008] =	vst v0  }
0x3fe: {  	[tilespmem:$0x4018] =	vst v0  }
0x3ff: {  	[tilespmem:$0x4028] =	vst v0  }
0x400: {  	[tilespmem:$0x4038] =	vst v0  }
0x401: {  	[tilespmem:$0x4048] =	vst v0  }
0x402: {  	[tilespmem:$0x4058] =	vst v0  }
0x403: {  	[tilespmem:$0x4068] =	vst v0  }
0x404: {  	[tilespmem:$0x4078] =	vst v0  }
0x405: {  	[tilespmem:$0x4088] =	vst v0  }
0x406: {  	[tilespmem:$0x4098] =	vst v0  }
0x407: {  	[tilespmem:$0x40A8] =	vst v0  }
0x408: {  	[tilespmem:$0x40B8] =	vst v0  }
0x409: {  	[tilespmem:$0x40C8] =	vst v0  }
0x40a: {  	[tilespmem:$0x40D8] =	vst v0  }
0x40b: {  	[tilespmem:$0x4108] =	vst v0  }
0x40c: {  	[tilespmem:$0x4118] =	vst v0  }
0x40d: {  	[tilespmem:$0x4128] =	vst v0  }
0x40e: {  	[tilespmem:$0x4138] =	vst v0  }
0x40f: {  	[tilespmem:$0x4148] =	vst v0  }
0x410: {  	[tilespmem:$0x4158] =	vst v0  }
0x411: {  	[tilespmem:$0x4168] =	vst v0  }
0x412: {  	[tilespmem:$0x4178] =	vst v0  }
0x413: {  	[tilespmem:$0x4188] =	vst v0  }
0x414: {  	[tilespmem:$0x4198] =	vst v0  }
0x415: {  	[tilespmem:$0x41A8] =	vst v0  }
0x416: {  	[tilespmem:$0x41B8] =	vst v0  }
0x417: {  	[tilespmem:$0x41C8] =	vst v0  }
0x418: {  	[tilespmem:$0x41D8] =	vst v0  }
0x419: {  	[tilespmem:$0x41E8] =	vst v0  }
0x41a: {  	[tilespmem:$0x41F8] =	vst v0  }
0x41b: {  	[tilespmem:$0x4208] =	vst v0  }
0x41c: {  	[tilespmem:$0x4218] =	vst v0  }
0x41d: {  	[tilespmem:$0x4228] =	vst v0  }
0x41e: {  	[tilespmem:$0x4238] =	vst v0  }
0x41f: {  	[tilespmem:$0x4248] =	vst v0  }
0x420: {  	[tilespmem:$0x4258] =	vst v0  }
0x421: {  	[tilespmem:$0x4268] =	vst v0  }
0x422: {  	[tilespmem:$0x4278] =	vst v0  }
0x423: {  	[tilespmem:$0x4288] =	vst v0  }
0x424: {  	[tilespmem:$0x4298] =	vst v0  }
0x425: {  	[tilespmem:$0x42A8] =	vst v0  }
0x426: {  	[tilespmem:$0x42B8] =	vst v0  }
0x427: {  	[tilespmem:$0x42C8] =	vst v0  }
0x428: {  	[tilespmem:$0x42D8] =	vst v0  }
0x429: {  	[tilespmem:$0x42E8] =	vst v0  }
0x42a: {  	[tilespmem:$0x42F8] =	vst v0  }
0x42b: {  	[tilespmem:$0x4308] =	vst v0  }
0x42c: {  	[tilespmem:$0x4318] =	vst v0  }
0x42d: {  	[tilespmem:$0x4328] =	vst v0  }
0x42e: {  	[tilespmem:$0x4338] =	vst v0  }
0x42f: {  	[tilespmem:$0x4348] =	vst v0  }
0x430: {  	[tilespmem:$0x4358] =	vst v0  }
0x431: {  	[tilespmem:$0x4368] =	vst v0  }
0x432: {  	[tilespmem:$0x4378] =	vst v0  }
0x433: {  	[tilespmem:$0x4388] =	vst v0  }
0x434: {  	[tilespmem:$0x4398] =	vst v0  }
0x435: {  	[tilespmem:$0x43A8] =	vst v0  }
0x436: {  	[tilespmem:$0x43B8] =	vst v0  }
0x437: {  	[tilespmem:$0x43C8] =	vst v0  }
0x438: {  	[tilespmem:$0x43D8] =	vst v0  }
0x439: {  	[tilespmem:$0x43E8] =	vst v0  }
0x43a: {  	[tilespmem:$0x43F8] =	vst v0  }
0x43b: {  	[tilespmem:$0x4408] =	vst v0  }
0x43c: {  	[tilespmem:$0x4418] =	vst v0  }
0x43d: {  	[tilespmem:$0x4428] =	vst v0  }
0x43e: {  	[tilespmem:$0x4438] =	vst v0  }
0x43f: {  	[tilespmem:$0x4448] =	vst v0  }
0x440: {  	[tilespmem:$0x4458] =	vst v0  }
0x441: {  	[tilespmem:$0x4468] =	vst v0  }
0x442: {  	[tilespmem:$0x4478] =	vst v0  }
0x443: {  	[tilespmem:$0x4488] =	vst v0  }
0x444: {  	[tilespmem:$0x4498] =	vst v0  }
0x445: {  	[tilespmem:$0x44A8] =	vst v0  }
0x446: {  	[tilespmem:$0x44B8] =	vst v0  }
0x447: {  	[tilespmem:$0x44C8] =	vst v0  }
0x448: {  	[tilespmem:$0x44D8] =	vst v0  }
0x449: {  	[tilespmem:$0x44E8] =	vst v0  }
0x44a: {  	[tilespmem:$0x44F8] =	vst v0  }
0x44b: {  	[tilespmem:$0x4508] =	vst v0  }
0x44c: {  	[tilespmem:$0x4518] =	vst v0  }
0x44d: {  	[tilespmem:$0x4528] =	vst v0  }
0x44e: {  	[tilespmem:$0x4538] =	vst v0  }
0x44f: {  	[tilespmem:$0x4548] =	vst v0  }
0x450: {  	[tilespmem:$0x4558] =	vst v0  }
0x451: {  	[tilespmem:$0x4568] =	vst v0  }
0x452: {  	[tilespmem:$0x4578] =	vst v0  }
0x453: {  	[tilespmem:$0x4588] =	vst v0  }
0x454: {  	[tilespmem:$0x4598] =	vst v0  }
0x455: {  	[tilespmem:$0x45A8] =	vst v0  }
0x456: {  	[tilespmem:$0x45B8] =	vst v0  }
0x457: {  	[tilespmem:$0x45C8] =	vst v0  }
0x458: {  	[tilespmem:$0x45D8] =	vst v0  }
0x459: {  	[tilespmem:$0x45E8] =	vst v0  }
0x45a: {  	[tilespmem:$0x45F8] =	vst v0  }
0x45b: {  	[tilespmem:$0x4608] =	vst v0  }
0x45c: {  	[tilespmem:$0x4618] =	vst v0  }
0x45d: {  	[tilespmem:$0x4628] =	vst v0  }
0x45e: {  	[tilespmem:$0x4638] =	vst v0  }
0x45f: {  	[tilespmem:$0x4648] =	vst v0  }
0x460: {  	[tilespmem:$0x4658] =	vst v0  }
0x461: {  	[tilespmem:$0x4668] =	vst v0  }
0x462: {  	[tilespmem:$0x4678] =	vst v0  }
0x463: {  	[tilespmem:$0x4688] =	vst v0  }
0x464: {  	[tilespmem:$0x4698] =	vst v0  }
0x465: {  	[tilespmem:$0x46A8] =	vst v0  }
0x466: {  	[tilespmem:$0x46B8] =	vst v0  }
0x467: {  	[tilespmem:$0x46C8] =	vst v0  }
0x468: {  	[tilespmem:$0x46D8] =	vst v0  }
0x469: {  	[tilespmem:$0x46E8] =	vst v0  }
0x46a: {  	[tilespmem:$0x46F8] =	vst v0  }
0x46b: {  	[tilespmem:$0x4708] =	vst v0  }
0x46c: {  	[tilespmem:$0x4718] =	vst v0  }
0x46d: {  	[tilespmem:$0x4728] =	vst v0  }
0x46e: {  	[tilespmem:$0x4738] =	vst v0  }
0x46f: {  	[tilespmem:$0x4748] =	vst v0  }
0x470: {  	[tilespmem:$0x4758] =	vst v0  }
0x471: {  	[tilespmem:$0x4768] =	vst v0  }
0x472: {  	[tilespmem:$0x4778] =	vst v0  }
0x473: {  	[tilespmem:$0x4788] =	vst v0  }
0x474: {  	[tilespmem:$0x4798] =	vst v0  }
0x475: {  	[tilespmem:$0x47A8] =	vst v0  }
0x476: {  	[tilespmem:$0x47B8] =	vst v0  }
0x477: {  	[tilespmem:$0x47C8] =	vst v0  }
0x478: {  	[tilespmem:$0x47D8] =	vst v0  }
0x479: {  	[tilespmem:$0x47E8] =	vst v0  }
0x47a: {  	[tilespmem:$0x47F8] =	vst v0  }
0x47b: {  	[tilespmem:$0x4808] =	vst v0  }
0x47c: {  	[tilespmem:$0x4818] =	vst v0  }
0x47d: {  	[tilespmem:$0x4828] =	vst v0  }
0x47e: {  	[tilespmem:$0x4838] =	vst v0  }
0x47f: {  	[tilespmem:$0x4848] =	vst v0  }
0x480: {  	[tilespmem:$0x4858] =	vst v0  }
0x481: {  	[tilespmem:$0x4868] =	vst v0  }
0x482: {  	[tilespmem:$0x4878] =	vst v0  }
0x483: {  	[tilespmem:$0x4888] =	vst v0  }
0x484: {  	[tilespmem:$0x4898] =	vst v0  }
0x485: {  	[tilespmem:$0x48A8] =	vst v0  }
0x486: {  	[tilespmem:$0x48B8] =	vst v0  }
0x487: {  	[tilespmem:$0x48C8] =	vst v0  }
0x488: {  	[tilespmem:$0x48D8] =	vst v0  }
0x489: {  	[tilespmem:$0x48E8] =	vst v0  }
0x48a: {  	[tilespmem:$0x48F8] =	vst v0  }
0x48b: {  	[tilespmem:$0x4908] =	vst v0  }
0x48c: {  	[tilespmem:$0x4918] =	vst v0  }
0x48d: {  	[tilespmem:$0x4928] =	vst v0  }
0x48e: {  	[tilespmem:$0x4938] =	vst v0  }
0x48f: {  	[tilespmem:$0x4948] =	vst v0  }
0x490: {  	[tilespmem:$0x4958] =	vst v0  }
0x491: {  	[tilespmem:$0x4968] =	vst v0  }
0x492: {  	[tilespmem:$0x4978] =	vst v0  }
0x493: {  	[tilespmem:$0x4988] =	vst v0  }
0x494: {  	[tilespmem:$0x4998] =	vst v0  }
0x495: {  	[tilespmem:$0x49A8] =	vst v0  }
0x496: {  	[tilespmem:$0x49B8] =	vst v0  }
0x497: {  	[tilespmem:$0x49C8] =	vst v0  }
0x498: {  	[tilespmem:$0x49D8] =	vst v0  }
0x499: {  	[tilespmem:$0x49E8] =	vst v0  }
0x49a: {  	[tilespmem:$0x49F8] =	vst v0  }
0x49b: {  	[tilespmem:$0x4A08] =	vst v0  }
0x49c: {  	[tilespmem:$0x4A18] =	vst v0  }
0x49d: {  	[tilespmem:$0x4A28] =	vst v0  }
0x49e: {  	[tilespmem:$0x4A38] =	vst v0  }
0x49f: {  	[tilespmem:$0x4A48] =	vst v0  }
0x4a0: {  	[tilespmem:$0x4A58] =	vst v0  }
0x4a1: {  	[tilespmem:$0x4A68] =	vst v0  }
0x4a2: {  	[tilespmem:$0x4A78] =	vst v0  }
0x4a3: {  	[tilespmem:$0x4A88] =	vst v0  }
0x4a4: {  	[tilespmem:$0x4A98] =	vst v0  }
0x4a5: {  	[tilespmem:$0x4AA8] =	vst v0  }
0x4a6: {  	[tilespmem:$0x4AB8] =	vst v0  }
0x4a7: {  	[tilespmem:$0x4AC8] =	vst v0  }
0x4a8: {  	[tilespmem:$0x4AD8] =	vst v0  }
0x4a9: {  	[tilespmem:$0x4AE8] =	vst v0  }
0x4aa: {  	[tilespmem:$0x4AF8] =	vst v0  }
0x4ab: {  	[tilespmem:$0x4B08] =	vst v0  }
0x4ac: {  	[tilespmem:$0x4B18] =	vst v0  }
0x4ad: {  	[tilespmem:$0x4B28] =	vst v0  }
0x4ae: {  	[tilespmem:$0x4B38] =	vst v0  }
0x4af: {  	[tilespmem:$0x4B48] =	vst v0  }
0x4b0: {  	[tilespmem:$0x4B58] =	vst v0  }
0x4b1: {  	[tilespmem:$0x4B68] =	vst v0  }
0x4b2: {  	[tilespmem:$0x4B78] =	vst v0  }
0x4b3: {  	[tilespmem:$0x4B88] =	vst v0  }
0x4b4: {  	[tilespmem:$0x4B98] =	vst v0  }
0x4b5: {  	[tilespmem:$0x4BA8] =	vst v0  }
0x4b6: {  	[tilespmem:$0x4BB8] =	vst v0  }
0x4b7: {  	[tilespmem:$0x4BC8] =	vst v0  }
0x4b8: {  	[tilespmem:$0x4BD8] =	vst v0  }
0x4b9: {  	[tilespmem:$0x4BE8] =	vst v0  }
0x4ba: {  	[tilespmem:$0x4BF8] =	vst v0  }
0x4bb: {  	[tilespmem:$0x4C08] =	vst v0  }
0x4bc: {  	[tilespmem:$0x4C18] =	vst v0  }
0x4bd: {  	[tilespmem:$0x4C28] =	vst v0  }
0x4be: {  	[tilespmem:$0x4C38] =	vst v0  }
0x4bf: {  	[tilespmem:$0x4C48] =	vst v0  }
0x4c0: {  	[tilespmem:$0x4C58] =	vst v0  }
0x4c1: {  	[tilespmem:$0x4C68] =	vst v0  }
0x4c2: {  	[tilespmem:$0x4C78] =	vst v0  }
0x4c3: {  	[tilespmem:$0x4C88] =	vst v0  }
0x4c4: {  	[tilespmem:$0x4C98] =	vst v0  }
0x4c5: {  	[tilespmem:$0x4CA8] =	vst v0  }
0x4c6: {  	[tilespmem:$0x4CB8] =	vst v0  }
0x4c7: {  	[tilespmem:$0x4CC8] =	vst v0  }
0x4c8: {  	[tilespmem:$0x4CD8] =	vst v0  }
0x4c9: {  	[tilespmem:$0x4CE8] =	vst v0  }
0x4ca: {  	[tilespmem:$0x4CF8] =	vst v0  }
0x4cb: {  	[tilespmem:$0x4D08] =	vst v0  }
0x4cc: {  	[tilespmem:$0x4D18] =	vst v0  }
0x4cd: {  	[tilespmem:$0x4D28] =	vst v0  }
0x4ce: {  	[tilespmem:$0x4D38] =	vst v0  }
0x4cf: {  	[tilespmem:$0x4D48] =	vst v0  }
0x4d0: {  	[tilespmem:$0x4D58] =	vst v0  }
0x4d1: {  	[tilespmem:$0x4D68] =	vst v0  }
0x4d2: {  	[tilespmem:$0x4D78] =	vst v0  }
0x4d3: {  	[tilespmem:$0x4D88] =	vst v0  }
0x4d4: {  	[tilespmem:$0x4D98] =	vst v0  }
0x4d5: {  	[tilespmem:$0x4DA8] =	vst v0  }
0x4d6: {  	[tilespmem:$0x4DB8] =	vst v0  }
0x4d7: {  	[tilespmem:$0x4DC8] =	vst v0  }
0x4d8: {  	[tilespmem:$0x4DD8] =	vst v0  }
0x4d9: {  	[tilespmem:$0x4DE8] =	vst v0  }
0x4da: {  	[tilespmem:$0x4DF8] =	vst v0  }
0x4db: {  	[tilespmem:$0x4E08] =	vst v0  }
0x4dc: {  	[tilespmem:$0x4E18] =	vst v0  }
0x4dd: {  	[tilespmem:$0x4E28] =	vst v0  }
0x4de: {  	[tilespmem:$0x4E38] =	vst v0  }
0x4df: {  	[tilespmem:$0x4E48] =	vst v0  }
0x4e0: {  	[tilespmem:$0x4E58] =	vst v0  }
0x4e1: {  	[tilespmem:$0x4E68] =	vst v0  }
0x4e2: {  	[tilespmem:$0x4E78] =	vst v0  }
0x4e3: {  	[tilespmem:$0x4E88] =	vst v0  }
0x4e4: {  	[tilespmem:$0x4E98] =	vst v0  }
0x4e5: {  	[tilespmem:$0x4EA8] =	vst v0  }
0x4e6: {  	[tilespmem:$0x4EB8] =	vst v0  }
0x4e7: {  	[tilespmem:$0x4EC8] =	vst v0  }
0x4e8: {  	[tilespmem:$0x4ED8] =	vst v0  }
0x4e9: {  	[tilespmem:$0x4EE8] =	vst v0  }
0x4ea: {  	[tilespmem:$0x4EF8] =	vst v0  }
0x4eb: {  	[tilespmem:$0x4F08] =	vst v0  }
0x4ec: {  	[tilespmem:$0x4F18] =	vst v0  }
0x4ed: {  	[tilespmem:$0x4F28] =	vst v0  }
0x4ee: {  	[tilespmem:$0x4F38] =	vst v0  }
0x4ef: {  	[tilespmem:$0x4F48] =	vst v0  }
0x4f0: {  	[tilespmem:$0x4F58] =	vst v0  }
0x4f1: {  	[tilespmem:$0x4F68] =	vst v0  }
0x4f2: {  	[tilespmem:$0x4F78] =	vst v0  }
0x4f3: {  	[tilespmem:$0x4F88] =	vst v0  }
0x4f4: {  	[tilespmem:$0x4F98] =	vst v0  }
0x4f5: {  	[tilespmem:$0x4FA8] =	vst v0  }
0x4f6: {  	[tilespmem:$0x4FB8] =	vst v0  }
0x4f7: {  	[tilespmem:$0x4FC8] =	vst v0  }
0x4f8: {  	[tilespmem:$0x4FD8] =	vst v0  }
0x4f9: {  	[tilespmem:$0x4FE8] =	vst v0  }
0x4fa: {  	[tilespmem:$0x4FF8] =	vst v0  }
0x4fb: {  	[tilespmem:$0x5008] =	vst v0  }
0x4fc: {  	[tilespmem:$0x5018] =	vst v0  }
0x4fd: {  	[tilespmem:$0x5028] =	vst v0  }
0x4fe: {  	[tilespmem:$0x5038] =	vst v0  }
0x4ff: {  	[tilespmem:$0x5048] =	vst v0  }
0x500: {  	[tilespmem:$0x5058] =	vst v0  }
0x501: {  	[tilespmem:$0x5068] =	vst v0  }
0x502: {  	[tilespmem:$0x5078] =	vst v0  }
0x503: {  	[tilespmem:$0x5088] =	vst v0  }
0x504: {  	[tilespmem:$0x5098] =	vst v0  }
0x505: {  	[tilespmem:$0x50A8] =	vst v0  }
0x506: {  	[tilespmem:$0x50B8] =	vst v0  }
0x507: {  	[tilespmem:$0x50C8] =	vst v0  }
0x508: {  	[tilespmem:$0x50D8] =	vst v0  }
0x509: {  	[tilespmem:$0x50E8] =	vst v0  }
0x50a: {  	[tilespmem:$0x50F8] =	vst v0  }
0x50b: {  	[tilespmem:$0x51A8] =	vst v0  }
0x50c: {  	[tilespmem:$0x5FE8] =	vst v0  }
0x50d: {  	[tilespmem:$0x5FD8] =	vst v0  }
0x50e: {  	[tilespmem:$0x5148] =	vst v0  }
0x50f: {  	[tilespmem:$0x5FC8] =	vst v0  }
0x510: {  	[tilespmem:$0x5FB8] =	vst v0  }
0x511: {  	[tilespmem:$0x5FA8] =	vst v0  }
0x512: {  	[tilespmem:$0x5F98] =	vst v0  }
0x513: {  	[tilespmem:$0x5F88] =	vst v0  }
0x514: {  	[tilespmem:$0x5F78] =	vst v0  }
0x515: {  	[tilespmem:$0x5F68] =	vst v0  }
0x516: {  	[tilespmem:$0x5F58] =	vst v0  }
0x517: {  	[tilespmem:$0x5F48] =	vst v0  }
0x518: {  	[tilespmem:$0x5F38] =	vst v0  }
0x519: {  	[tilespmem:$0x5F28] =	vst v0  }
0x51a: {  	[tilespmem:$0x5F18] =	vst v0  }
0x51b: {  	[tilespmem:$0x5F08] =	vst v0  }
0x51c: {  	[tilespmem:$0x5EF8] =	vst v0  }
0x51d: {  	[tilespmem:$0x5EE8] =	vst v0  }
0x51e: {  	[tilespmem:$0x5ED8] =	vst v0  }
0x51f: {  	[tilespmem:$0x5EC8] =	vst v0  }
0x520: {  	[tilespmem:$0x5EB8] =	vst v0  }
0x521: {  	[tilespmem:$0x5EA8] =	vst v0  }
0x522: {  	[tilespmem:$0x5E98] =	vst v0  }
0x523: {  	[tilespmem:$0x5E88] =	vst v0  }
0x524: {  	[tilespmem:$0x5E78] =	vst v0  }
0x525: {  	[tilespmem:$0x5E68] =	vst v0  }
0x526: {  	[tilespmem:$0x5E58] =	vst v0  }
0x527: {  	[tilespmem:$0x5E48] =	vst v0  }
0x528: {  	[tilespmem:$0x5E38] =	vst v0  }
0x529: {  	[tilespmem:$0x5E28] =	vst v0  }
0x52a: {  	[tilespmem:$0x5E18] =	vst v0  }
0x52b: {  	[tilespmem:$0x5E08] =	vst v0  }
0x52c: {  	[tilespmem:$0x5DF8] =	vst v0  }
0x52d: {  	[tilespmem:$0x5DE8] =	vst v0  }
0x52e: {  	[tilespmem:$0x5DD8] =	vst v0  }
0x52f: {  	[tilespmem:$0x5DC8] =	vst v0  }
0x530: {  	[tilespmem:$0x5DB8] =	vst v0  }
0x531: {  	[tilespmem:$0x5DA8] =	vst v0  }
0x532: {  	[tilespmem:$0x5D98] =	vst v0  }
0x533: {  	[tilespmem:$0x5D88] =	vst v0  }
0x534: {  	[tilespmem:$0x5D78] =	vst v0  }
0x535: {  	[tilespmem:$0x5D68] =	vst v0  }
0x536: {  	[tilespmem:$0x5D58] =	vst v0  }
0x537: {  	[tilespmem:$0x5D48] =	vst v0  }
0x538: {  	[tilespmem:$0x5D38] =	vst v0  }
0x539: {  	[tilespmem:$0x5D28] =	vst v0  }
0x53a: {  	[tilespmem:$0x5D18] =	vst v0  }
0x53b: {  	[tilespmem:$0x5D08] =	vst v0  }
0x53c: {  	[tilespmem:$0x5CF8] =	vst v0  }
0x53d: {  	[tilespmem:$0x5CE8] =	vst v0  }
0x53e: {  	[tilespmem:$0x5CD8] =	vst v0  }
0x53f: {  	[tilespmem:$0x5CC8] =	vst v0  }
0x540: {  	[tilespmem:$0x5CB8] =	vst v0  }
0x541: {  	[tilespmem:$0x5CA8] =	vst v0  }
0x542: {  	[tilespmem:$0x5C98] =	vst v0  }
0x543: {  	[tilespmem:$0x5C88] =	vst v0  }
0x544: {  	[tilespmem:$0x5C78] =	vst v0  }
0x545: {  	[tilespmem:$0x5C68] =	vst v0  }
0x546: {  	[tilespmem:$0x5C58] =	vst v0  }
0x547: {  	[tilespmem:$0x5C48] =	vst v0  }
0x548: {  	[tilespmem:$0x5C38] =	vst v0  }
0x549: {  	[tilespmem:$0x5C28] =	vst v0  }
0x54a: {  	[tilespmem:$0x5C18] =	vst v0  }
0x54b: {  	[tilespmem:$0x5C08] =	vst v0  }
0x54c: {  	[tilespmem:$0x5BF8] =	vst v0  }
0x54d: {  	[tilespmem:$0x5BE8] =	vst v0  }
0x54e: {  	[tilespmem:$0x5BD8] =	vst v0  }
0x54f: {  	[tilespmem:$0x5BC8] =	vst v0  }
0x550: {  	[tilespmem:$0x5BB8] =	vst v0  }
0x551: {  	[tilespmem:$0x5BA8] =	vst v0  }
0x552: {  	[tilespmem:$0x5B98] =	vst v0  }
0x553: {  	[tilespmem:$0x5B88] =	vst v0  }
0x554: {  	[tilespmem:$0x5B78] =	vst v0  }
0x555: {  	[tilespmem:$0x5B68] =	vst v0  }
0x556: {  	[tilespmem:$0x5B58] =	vst v0  }
0x557: {  	[tilespmem:$0x5B48] =	vst v0  }
0x558: {  	[tilespmem:$0x5B38] =	vst v0  }
0x559: {  	[tilespmem:$0x5B28] =	vst v0  }
0x55a: {  	[tilespmem:$0x5B18] =	vst v0  }
0x55b: {  	[tilespmem:$0x5B08] =	vst v0  }
0x55c: {  	[tilespmem:$0x5AF8] =	vst v0  }
0x55d: {  	[tilespmem:$0x5AE8] =	vst v0  }
0x55e: {  	[tilespmem:$0x5AD8] =	vst v0  }
0x55f: {  	[tilespmem:$0x5AC8] =	vst v0  }
0x560: {  	[tilespmem:$0x5AB8] =	vst v0  }
0x561: {  	[tilespmem:$0x5AA8] =	vst v0  }
0x562: {  	[tilespmem:$0x5A98] =	vst v0  }
0x563: {  	[tilespmem:$0x5A88] =	vst v0  }
0x564: {  	[tilespmem:$0x5A78] =	vst v0  }
0x565: {  	[tilespmem:$0x5A68] =	vst v0  }
0x566: {  	[tilespmem:$0x5A58] =	vst v0  }
0x567: {  	[tilespmem:$0x5A48] =	vst v0  }
0x568: {  	[tilespmem:$0x5A38] =	vst v0  }
0x569: {  	[tilespmem:$0x5A28] =	vst v0  }
0x56a: {  	[tilespmem:$0x5A18] =	vst v0  }
0x56b: {  	[tilespmem:$0x5A08] =	vst v0  }
0x56c: {  	[tilespmem:$0x59F8] =	vst v0  }
0x56d: {  	[tilespmem:$0x59E8] =	vst v0  }
0x56e: {  	[tilespmem:$0x59D8] =	vst v0  }
0x56f: {  	[tilespmem:$0x59C8] =	vst v0  }
0x570: {  	[tilespmem:$0x59B8] =	vst v0  }
0x571: {  	[tilespmem:$0x59A8] =	vst v0  }
0x572: {  	[tilespmem:$0x5998] =	vst v0  }
0x573: {  	[tilespmem:$0x5988] =	vst v0  }
0x574: {  	[tilespmem:$0x5978] =	vst v0  }
0x575: {  	[tilespmem:$0x5968] =	vst v0  }
0x576: {  	[tilespmem:$0x5958] =	vst v0  }
0x577: {  	[tilespmem:$0x5948] =	vst v0  }
0x578: {  	[tilespmem:$0x5938] =	vst v0  }
0x579: {  	[tilespmem:$0x5928] =	vst v0  }
0x57a: {  	[tilespmem:$0x5918] =	vst v0  }
0x57b: {  	[tilespmem:$0x5908] =	vst v0  }
0x57c: {  	[tilespmem:$0x58F8] =	vst v0  }
0x57d: {  	[tilespmem:$0x58E8] =	vst v0  }
0x57e: {  	[tilespmem:$0x58D8] =	vst v0  }
0x57f: {  	[tilespmem:$0x58C8] =	vst v0  }
0x580: {  	[tilespmem:$0x58B8] =	vst v0  }
0x581: {  	[tilespmem:$0x58A8] =	vst v0  }
0x582: {  	[tilespmem:$0x5898] =	vst v0  }
0x583: {  	[tilespmem:$0x5888] =	vst v0  }
0x584: {  	[tilespmem:$0x5878] =	vst v0  }
0x585: {  	[tilespmem:$0x5868] =	vst v0  }
0x586: {  	[tilespmem:$0x5858] =	vst v0  }
0x587: {  	[tilespmem:$0x5848] =	vst v0  }
0x588: {  	[tilespmem:$0x5838] =	vst v0  }
0x589: {  	[tilespmem:$0x5828] =	vst v0  }
0x58a: {  	[tilespmem:$0x5818] =	vst v0  }
0x58b: {  	[tilespmem:$0x5808] =	vst v0  }
0x58c: {  	[tilespmem:$0x57F8] =	vst v0  }
0x58d: {  	[tilespmem:$0x57E8] =	vst v0  }
0x58e: {  	[tilespmem:$0x57D8] =	vst v0  }
0x58f: {  	[tilespmem:$0x57C8] =	vst v0  }
0x590: {  	[tilespmem:$0x57B8] =	vst v0  }
0x591: {  	[tilespmem:$0x57A8] =	vst v0  }
0x592: {  	[tilespmem:$0x5798] =	vst v0  }
0x593: {  	[tilespmem:$0x5788] =	vst v0  }
0x594: {  	[tilespmem:$0x5778] =	vst v0  }
0x595: {  	[tilespmem:$0x5768] =	vst v0  }
0x596: {  	[tilespmem:$0x5758] =	vst v0  }
0x597: {  	[tilespmem:$0x5748] =	vst v0  }
0x598: {  	[tilespmem:$0x5738] =	vst v0  }
0x599: {  	[tilespmem:$0x5728] =	vst v0  }
0x59a: {  	[tilespmem:$0x5718] =	vst v0  }
0x59b: {  	[tilespmem:$0x5708] =	vst v0  }
0x59c: {  	[tilespmem:$0x56F8] =	vst v0  }
0x59d: {  	[tilespmem:$0x56E8] =	vst v0  }
0x59e: {  	[tilespmem:$0x56D8] =	vst v0  }
0x59f: {  	[tilespmem:$0x56C8] =	vst v0  }
0x5a0: {  	[tilespmem:$0x56B8] =	vst v0  }
0x5a1: {  	[tilespmem:$0x56A8] =	vst v0  }
0x5a2: {  	[tilespmem:$0x5698] =	vst v0  }
0x5a3: {  	[tilespmem:$0x5688] =	vst v0  }
0x5a4: {  	[tilespmem:$0x5678] =	vst v0  }
0x5a5: {  	[tilespmem:$0x5668] =	vst v0  }
0x5a6: {  	[tilespmem:$0x5658] =	vst v0  }
0x5a7: {  	[tilespmem:$0x5648] =	vst v0  }
0x5a8: {  	[tilespmem:$0x5638] =	vst v0  }
0x5a9: {  	[tilespmem:$0x5628] =	vst v0  }
0x5aa: {  	[tilespmem:$0x5618] =	vst v0  }
0x5ab: {  	[tilespmem:$0x5608] =	vst v0  }
0x5ac: {  	[tilespmem:$0x55F8] =	vst v0  }
0x5ad: {  	[tilespmem:$0x55E8] =	vst v0  }
0x5ae: {  	[tilespmem:$0x55D8] =	vst v0  }
0x5af: {  	[tilespmem:$0x55C8] =	vst v0  }
0x5b0: {  	[tilespmem:$0x55B8] =	vst v0  }
0x5b1: {  	[tilespmem:$0x55A8] =	vst v0  }
0x5b2: {  	[tilespmem:$0x5598] =	vst v0  }
0x5b3: {  	[tilespmem:$0x5588] =	vst v0  }
0x5b4: {  	[tilespmem:$0x5578] =	vst v0  }
0x5b5: {  	[tilespmem:$0x5568] =	vst v0  }
0x5b6: {  	[tilespmem:$0x5558] =	vst v0  }
0x5b7: {  	[tilespmem:$0x5548] =	vst v0  }
0x5b8: {  	[tilespmem:$0x5538] =	vst v0  }
0x5b9: {  	[tilespmem:$0x5528] =	vst v0  }
0x5ba: {  	[tilespmem:$0x5518] =	vst v0  }
0x5bb: {  	[tilespmem:$0x5508] =	vst v0  }
0x5bc: {  	[tilespmem:$0x54F8] =	vst v0  }
0x5bd: {  	[tilespmem:$0x54E8] =	vst v0  }
0x5be: {  	[tilespmem:$0x54D8] =	vst v0  }
0x5bf: {  	[tilespmem:$0x54C8] =	vst v0  }
0x5c0: {  	[tilespmem:$0x54B8] =	vst v0  }
0x5c1: {  	[tilespmem:$0x54A8] =	vst v0  }
0x5c2: {  	[tilespmem:$0x5498] =	vst v0  }
0x5c3: {  	[tilespmem:$0x5488] =	vst v0  }
0x5c4: {  	[tilespmem:$0x5478] =	vst v0  }
0x5c5: {  	[tilespmem:$0x5468] =	vst v0  }
0x5c6: {  	[tilespmem:$0x5458] =	vst v0  }
0x5c7: {  	[tilespmem:$0x5448] =	vst v0  }
0x5c8: {  	[tilespmem:$0x5438] =	vst v0  }
0x5c9: {  	[tilespmem:$0x5428] =	vst v0  }
0x5ca: {  	[tilespmem:$0x5418] =	vst v0  }
0x5cb: {  	[tilespmem:$0x5408] =	vst v0  }
0x5cc: {  	[tilespmem:$0x53F8] =	vst v0  }
0x5cd: {  	[tilespmem:$0x53E8] =	vst v0  }
0x5ce: {  	[tilespmem:$0x53D8] =	vst v0  }
0x5cf: {  	[tilespmem:$0x53C8] =	vst v0  }
0x5d0: {  	[tilespmem:$0x53B8] =	vst v0  }
0x5d1: {  	[tilespmem:$0x53A8] =	vst v0  }
0x5d2: {  	[tilespmem:$0x5398] =	vst v0  }
0x5d3: {  	[tilespmem:$0x5388] =	vst v0  }
0x5d4: {  	[tilespmem:$0x5378] =	vst v0  }
0x5d5: {  	[tilespmem:$0x5368] =	vst v0  }
0x5d6: {  	[tilespmem:$0x5358] =	vst v0  }
0x5d7: {  	[tilespmem:$0x5348] =	vst v0  }
0x5d8: {  	[tilespmem:$0x5338] =	vst v0  }
0x5d9: {  	[tilespmem:$0x5328] =	vst v0  }
0x5da: {  	[tilespmem:$0x5318] =	vst v0  }
0x5db: {  	[tilespmem:$0x5308] =	vst v0  }
0x5dc: {  	[tilespmem:$0x52F8] =	vst v0  }
0x5dd: {  	[tilespmem:$0x52E8] =	vst v0  }
0x5de: {  	[tilespmem:$0x52D8] =	vst v0  }
0x5df: {  	[tilespmem:$0x52C8] =	vst v0  }
0x5e0: {  	[tilespmem:$0x52B8] =	vst v0  }
0x5e1: {  	[tilespmem:$0x52A8] =	vst v0  }
0x5e2: {  	[tilespmem:$0x5298] =	vst v0  }
0x5e3: {  	[tilespmem:$0x5288] =	vst v0  }
0x5e4: {  	[tilespmem:$0x5278] =	vst v0  }
0x5e5: {  	[tilespmem:$0x5268] =	vst v0  }
0x5e6: {  	[tilespmem:$0x5258] =	vst v0  }
0x5e7: {  	[tilespmem:$0x5248] =	vst v0  }
0x5e8: {  	[tilespmem:$0x5238] =	vst v0  }
0x5e9: {  	[tilespmem:$0x5228] =	vst v0  }
0x5ea: {  	[tilespmem:$0x5218] =	vst v0  }
0x5eb: {  	s12 =	stileid.u32;
	[tilespmem:$0x5208] =	vst v0  }
0x5ec: {  	s0 =	smul.u32 $0x33, s12;
	[tilespmem:$0x51F8] =	vst v0  }
0x5ed: {  	s1 =	smin.u32 s12, $0x4;
	[tilespmem:$0x51E8] =	vst v0  }
0x5ee: {  	[tilespmem:$0x51D8] =	vst v0;
	s0 =	sadd.s32 s1, s0  }
0x5ef: {  	p0 =	slt.u32 s12, $0x4;
	[tilespmem:$0x51C8] =	vst v0;
	s1 =	simm.s32 $0x3DC0;
	s9 =	smul.u32 $0x130, s0  }
0x5f0: {  	s1 =	simm.s32 @!p0 $0x3C90;
	[tilespmem:$0x51B8] =	vst v0  }
0x5f1: {  	[tilespmem:$0x5188] =	vst v0;
	s0 =	sadd.s32 s1, s9  }
0x5f2: {  	s6 =	simm.s32 $0x2;
	[tilespmem:$0x5198] =	vst v0;
	s10 =	smin.u32 s0, $0x3CD80  }
0x5f3: {  	s30 =	simm.s32 $0x9;
	s7 =	simm.s32 $0xA;
	[tilespmem:$0x5178] =	vst v0;
	s0 =	ssub.s32 s10, s9  }
0x5f4: {  	s13 =	simm.s32 $0xB;
	s18 =	simm.s32 $0x0;
	[tilespmem:$0x5118] =	vst v0;
	p0 =	sgt.s32 s0, $0x0  }
0x5f5: {  	p1 =	por $0x0, $0x0;
	s19 =	simm.s32 $0xC;
	[tilespmem:$0x5168] =	vst v0;
	s0 =	simm.s32 @!p0 $0x0  }
0x5f6: {  	s23 =	simm.s32 $0x0;
	s20 =	simm.s32 $0x0;
	s29 =	smulhi.u32 $0x6BCA1AF3, s0;
	[tilespmem:$0x5158] =	vst v0  }
0x5f7: {  	s22 =	simm.s32 $0x0;
	s2 =	sand.u32 $0x1, s2;
	s31 =	smul.u32 $0x280, s12;
	[tilespmem:$0x5138] =	vst v0  }
0x5f8: {  	[dreg:$0x5] =	wrdreg s2;
	s2 =	smul.u32 $0x79B0, s2;
	s1 =	sshrl.u32 s29, $0x7;
	[tilespmem:$0x5128] =	vst v0  }
0x5f9: {  	[tilespmem:$0x5108] =	vst v0;
	[sflag:s6] =	ssyncpa.u1 $0x0;
	v0 =	vimm.s32 $0xFFFFFFFF;
	s6 =	sadd.s32 $0x7AA400, s3;
	s8 =	smul.u32 $0x130, s1  }
.Ltmp0:
0x5fa: {  	[tilespmem:$0xBF48] =	vst v0;
	[sflag:s30] =	ssyncpa.u1 $0x0;
	s16 =	sshrl.u32 s31, $0x2;
	(pc) =	sbr.rel .LBB2_1-.Ltmp0, $4  }
0x5fb: {  	s11 =	sadd.s32 s2, s3;
	p0 =	sne.s32 s0, s8;
	s0 =	simm.s32 $0x1  }
0x5fc: {  	[sflag:s7] =	ssyncpa.u1 $0x0;
	s5 =	sadd.s32 s2, s5;
	s0 =	simm.s32 @!p0 $0x0  }
0x5fd: {  	[sflag:s13] =	ssyncpa.u1 $0x0;
	s15 =	sadd.s32 $0x79B000, s11;
	s14 =	sadd.s32 s0, s1  }
0x5fe: {  	v0 =	vlaneseq.u32;
	s21 =	smov.u32 s9;
	p0 =	por $0x1, $0x1;
	s17 =	sadd.s32 $0x1, s14  }
.LBB2_22:
0x5ff: {  	s0 =	sshrl.u32 s0, $0x2  }
.LBB2_24:
0x600: {  	_ =	swait.ge [sflag:s19], s0  }
0x601: {  	s30 =	ssub.s32 $0x0, s0;
	v1 =	vmov s25;
	vm0 =	veq.s32 v0, $0x0;
	[sflag:s19] =	ssyncset.done $0x0  }
0x602: {  	vm15 =	veq.s32 v0, $0x2;
	v1 =	vsel vm0, s31, v1;
	[sflag:s19] =	ssyncadd.s32 s30  }
0x603: {  	v1 =	vsel vm15, s23, v1;
	[sflag:s19] =	ssyncpa.u1 $0x1  }
0x604: {  	[tilespmem:$0xBF48] =	vst v1  }
.LBB2_25:
0x605: {  	s0 =	sadd.s32 $0x130, s21  }
0x606: {  	s1 =	smov.u32 s9;
	p2 =	slt.s32 s0, s10  }
0x607: {  	s1 =	smov.u32 @p2 s0;
	p2 =	sne.s32 s22, s17  }
.Ltmp1:
0x608: {  	_ = 	snop;
	(pc) =	sbr.rel @!p2 .LBB2_26-.Ltmp1, $4  }
0x609: {  	_ = 	snop  }
0x60a: {  	s23 =	smov.u32 s20  }
0x60b: {  	s31 =	sadd.s32 $0x1, s22;
	s20 =	smov.u32 s21;
	p0 =	por !p0, !p0  }
0x60c: {  	p1 =	por !p1, !p1;
	s22 =	smov.u32 s31;
	s21 =	smov.u32 s1  }
.LBB2_1:
0x60d: {  	p2 =	sge.u32 s22, s14  }
0x60e: {  	s0 =	smulhi.u32 @!p2 $0xAAAAAAAB, s22  }
0x60f: {  	s1 =	smov.u32 s21;
	p3 =	sgt.s32 @!p2 s21, $0x3CC50  }
0x610: {  	s2 =	sshra.s32 @!p2 s21, $0x1F;
	p3 =	por !p3, p2;
	s0 =	sshrl.u32 @!p2 s0, $0x1  }
0x611: {  	s2 =	sand.u32 @!p2 s2, s21;
	s1 =	simm.s32 @p3 $0x3CC50;
	s0 =	smul.u32 @!p2 $0x3, s0  }
0x612: {  	s1 =	ssub.s32 @!p2 s1, s2  }
0x613: {  	s1 =	sadd.s32 @!p2 $0xFFFC33B0, s1;
	s0 =	ssub.s32 @!p2 s22, s0  }
0x614: {  	s2 =	sshll.u32 @!p2 s1, $0x2;
	p3 =	sgt.s32 @!p2 s1, $0x12F;
	s0 =	smul.u32 @!p2 $0x4C0, s0  }
0x615: {  	s7 =	sand.u32 @!p2 $0x7, s21;
	s1 =	ssub.s32 @!p2 $0x4C0, s2;
	p3 =	por !p3, p2  }
0x616: {  	s2 =	sshrl.u32 @!p2 s21, $0x3;
	s1 =	sshrl.u32 @!p2 s1, $0x2;
	s0 =	sshrl.u32 @!p2 s0, $0x2  }
0x617: {  	s2 =	sadd.s32 @!p2 s2, s15;
	s1 =	simm.s32 @!p3 $0x0;
	s0 =	sadd.s32 @!p2 $0xC988, s0  }
0x618: {  	[tilespmem:s0], [sflag:$0xA] =	stream.linear.gather @!p2 [hbm4b:s2+s7], s1, $0x38;
	[tilespmem:$0x1FF78] =	vst v63  }
0x619: {  	s1 =	sadd.s32 $0xFFFFFFFF, s22  }
0x61a: {  	p2 =	sge.u32 s1, s14  }
0x61b: {  	p3 =	sgt.s32 @!p2 s20, $0x3CC50  }
0x61c: {  	s0 =	smov.u32 s20;
	s2 =	sshra.s32 @!p2 s20, $0x1F;
	p3 =	por !p3, p2  }
0x61d: {  	s2 =	sand.u32 @!p2 s2, s20;
	s0 =	simm.s32 @p3 $0x3CC50  }
0x61e: {  	s0 =	ssub.s32 @!p2 s0, s2  }
0x61f: {  	s0 =	sadd.s32 @!p2 $0xFFFC33B0, s0  }
0x620: {  	s2 =	sshll.u32 @!p2 s0, $0x2  }
0x621: {  	p3 =	sgt.s32 @!p2 s0, $0x12F;
	s0 =	ssub.s32 @!p2 $0x4C0, s2  }
0x622: {  	p3 =	por !p3, p2;
	s0 =	sshrl.u32 @!p2 s0, $0x2  }
0x623: {  	s7 =	simm.s32 @!p2 $0xA;
	s2 =	sand.u32 @!p2 $0x1, s1;
	s0 =	simm.s32 @!p3 $0x0  }
0x624: {  	s2 =	smul.u32 @!p2 $0x4C0, s2;
	_ =	swait.ge @!p2 [sflag:s7], s0  }
0x625: {  	s8 =	ssub.s32 @!p2 $0x0, s0;
	[sflag:s7] =	ssyncset.done @!p2 $0x0  }
0x626: {  	s2 =	sshrl.u32 @!p2 s2, $0x2;
	[sflag:s7] =	ssyncadd.s32 @!p2 s8;
	s7 =	sshrl.u32 @!p2 s20, $0x3  }
0x627: {  	s2 =	sadd.s32 @!p2 $0xCD18, s2;
	s8 =	sand.u32 @!p2 $0x7, s20;
	s7 =	sadd.s32 @!p2 s7, s5  }
0x628: {  	[tilespmem:s2], [sflag:$0xB] =	stream.linear.gather @!p2 [hbm4b:s7+s8], s0, $0x38;
	[tilespmem:$0x1FF78] =	vst v63  }
0x629: {  	s0 =	ssub.s32 @!p2 $0x3CD80, s20  }
0x62a: {  	p3 =	slt.s32 @!p2 s0, $0x1  }
0x62b: {  	p3 =	por p2, p3  }
.Ltmp2:
0x62c: {  	_ = 	snop;
	(pc) =	sbr.rel @p3 .LBB2_7-.Ltmp2, $1  }
0x62d: {  	_ =	sdelay $0x3  }
0x62e: {  	s2 =	smulhi.u32 $0xAAAAAAAB, s1;
	_ =	sdelay $0x1  }
0x62f: {  	s2 =	sshrl.u32 s2, $0x1  }
0x630: {  	s2 =	smul.u32 $0x3, s2;
	_ =	sdelay $0x1  }
0x631: {  	s29 =	ssub.s32 s1, s2  }
0x632: {  	s7 =	simm.s32 $0x1;
	s1 =	smul.u32 $0x4C0, s29  }
.Ltmp3:
0x633: {  	s7 =	simm.s32 @!p0 $0x0;
	(pc) =	sbr.rel .LBB2_4-.Ltmp3, $4  }
0x634: {  	s30 =	smul.u32 $0x26000, s7  }
0x635: {  	p3 =	slt.s32 @!p2 s0, $0x130;
	s1 =	sshrl.u32 s1, $0x2  }
0x636: {  	p2 =	por !p3, p2;
	s2 =	sshrl.u32 s30, $0x2;
	s31 =	sadd.s32 $0xC988, s1  }
0x637: {  	s24 =	simm.s32 $0x0;
	s0 =	simm.s32 @p2 $0x130;
	s1 =	sadd.s32 $0xCF78, s2;
	v1 =	vmov s31  }
.LBB2_3:
0x638: {  	p2 =	sge.s32 s24, s0  }
.Ltmp4:
0x639: {  	_ = 	snop;
	(pc) =	sbr.rel @p2 .LBB2_7-.Ltmp4, $2  }
0x63a: {  	_ =	sdelay $0x2  }
0x63b: {  	s1 =	sadd.s32 $0x800, s1  }
.LBB2_4:
0x63c: {  	p2 =	sle.s32 s0, s24  }
.Ltmp5:
0x63d: {  	_ = 	snop;
	(pc) =	sbr.rel @p2 .LBB2_3-.Ltmp5, $2  }
0x63e: {  	_ =	sdelay $0x2  }
0x63f: {  	s2 =	smov.u32 s24;
	s24 =	sadd.s32 $0x10, s24  }
0x640: {  	s7 =	ssub.s32 s0, s2  }
0x641: {  	p2 =	slt.s32 s7, $0x10  }
0x642: {  	s7 =	simm.s32 @!p2 $0x10  }
0x643: {  	v2 =	vmov s7  }
0x644: {  	vm0 =	vgt.s32 v2, v0;
	_ =	sdelay $0x5  }
0x645: {  	v2 =	vld.idx.msk [tilespmem:v1+s2+$0x0 ss:$0x1], vm0;
	_ =	sdelay $0x2  }
0x646: {  	s8 =	smov.u32 s0;
	p2 =	slt.s32 s24, s0  }
0x647: {  	s25 =	simm.s32 $0x0;
	s8 =	smov.u32 @p2 s24;
	s7 =	smov.u32 s1  }
.LBB2_6:
0x648: {  	(v2sf) =	vpush v2, s25;
	_ =	sdelay $0xc  }
0x649: {  	s25 =	sadd.s32 $0x1, s25  }
0x64a: {  	s31 =	sadd.s32 s25, s2  }
0x64b: {  	p2 =	slt.s32 s31, s8;
	s11 =	spop (v2sf)  }
.Ltmp6:
0x64c: {  	s11 =	sshll.u32 s11, $0x4;
	(pc) =	sbr.rel @p2 .LBB2_6-.Ltmp6, $4  }
0x64d: {  	s11 =	sand.u32 $0x1FFFFFF0, s11  }
0x64e: {  	s11 =	sadd.s32 s3, s11  }
0x64f: {  	[tilespmem:s7], [sflag:$0x9] =	stream.linear.gather [hbm4b:s11+s18], $0x50, $0x38;
	[tilespmem:$0x1FF78] =	vst v63  }
0x650: {  	s7 =	sadd.s32 $0x80, s7  }
.Ltmp7:
0x651: {  	_ = 	snop;
	(pc) =	sbr.rel .LBB2_3-.Ltmp7, $1  }
0x652: {  	_ =	sdelay $0x3  }
.LBB2_7:
0x653: {  	p2 =	slt.u32 s22, $0x2  }
.Ltmp8:
0x654: {  	_ = 	snop;
	(pc) =	sbr.rel @p2 .LBB2_25-.Ltmp8, $1  }
0x655: {  	_ =	sdelay $0x3  }
0x656: {  	s0 =	ssub.s32 $0x3CD80, s23;
	p2 =	sgt.s32 s23, $0x3CC50  }
0x657: {  	s1 =	smov.u32 s23;
	s2 =	sshra.s32 s23, $0x1F;
	p3 =	slt.s32 s0, $0x130  }
0x658: {  	s1 =	simm.s32 @!p2 $0x3CC50;
	s2 =	sand.u32 s2, s23;
	s0 =	simm.s32 @!p3 $0x130  }
0x659: {  	s1 =	ssub.s32 s1, s2;
	s0 =	smul.u32 $0x140, s0  }
0x65a: {  	s1 =	sadd.s32 $0xFFFC33B0, s1  }
0x65b: {  	s29 =	simm.s32 $0x9;
	s25 =	sshll.u32 s1, $0x2;
	s0 =	sshrl.u32 s0, $0x2  }
0x65c: {  	p2 =	sgt.s32 s1, $0x12F;
	s26 =	ssub.s32 $0x4C0, s25;
	_ =	swait.ge [sflag:s29], s0  }
0x65d: {  	s0 =	ssub.s32 $0x0, s0;
	s1 =	sshrl.u32 s26, $0x2;
	[sflag:s29] =	ssyncset.done $0x0  }
0x65e: {  	s1 =	simm.s32 @p2 $0x0;
	[sflag:s29] =	ssyncadd.s32 s0  }
0x65f: {  	_ =	swait.ge [sflag:s13], s1  }
0x660: {  	s30 =	ssub.s32 $0x0, s1;
	[sflag:s13] =	ssyncset.done $0x0  }
0x661: {  	[sflag:s13] =	ssyncadd.s32 s30  }
0x662: {  	v1 =	vld [tilespmem:$0xBF48];
	_ =	sdelay $0x4  }
0x663: {  	(v2sf) =	vpush v1, $0x0  }
0x664: {  	(v2sf) =	vpush v1, $0x1  }
0x665: {  	(v2sf) =	vpush v1, $0x2;
	_ =	sdelay $0x3  }
0x666: {  	s0 =	sadd.s32 $0x130, s23  }
0x667: {  	p2 =	slt.s32 s10, s0;
	s1 =	ssub.s32 $0x79B00, s23  }
0x668: {  	s0 =	smov.u32 @p2 s10;
	p2 =	sgt.s32 s1, $0x0  }
0x669: {  	s0 =	ssub.s32 s0, s23;
	s1 =	simm.s32 @!p2 $0x0  }
0x66a: {  	p2 =	slt.s32 s1, s0  }
0x66b: {  	s0 =	smov.u32 @p2 s1  }
0x66c: {  	s26 =	simm.s32 $0x1;
	p2 =	slt.s32 s0, $0x1  }
.Ltmp9:
0x66d: {  	s26 =	simm.s32 @!p1 $0x0;
	(pc) =	sbr.rel @p2 .LBB2_12-.Ltmp9, $4  }
0x66e: {  	s31 =	smul.u32 $0x4C0, s26  }
0x66f: {  	s28 =	spop (v2sf)  }
0x670: {  	s2 =	sshrl.u32 s31, $0x2;
	s1 =	spop (v2sf)  }
0x671: {  	s24 =	sadd.s32 $0xCD18, s2;
	s23 =	spop (v2sf)  }
0x672: {  	s2 =	smin.u32 s0, $0x10  }
0x673: {  	v1 =	vmov s2  }
0x674: {  	p3 =	sgt.s32 s0, $0x10;
	vm1 =	vgt.u32 v1, v0  }
.Ltmp10:
0x675: {  	_ = 	snop;
	(pc) =	sbr.rel @!p3 .LBB2_11-.Ltmp10, $2  }
0x676: {  	_ =	sdelay $0x2  }
0x677: {  	s25 =	simm.s32 $0x10;
	s29 =	sadd.s32 $0xFFFFFFF0, s0;
	s2 =	smov.u32 s24;
	vm0 =	vmmov vm1  }
.LBB2_10:
0x678: {  	s7 =	smin.u32 s29, $0x10;
	s25 =	sadd.s32 $0x10, s25;
	v1 =	vld.msk [tilespmem:s2+$0x0 ss:$0x1], vm1  }
0x679: {  	v2 =	vmov s7;
	p3 =	slt.s32 s25, s0  }
0x67a: {  	vm1 =	vgt.u32 v2, v0  }
.Ltmp11:
0x67b: {  	(pc) =	sbr.rel @p3 .LBB2_10-.Ltmp11, $3  }
0x67c: {  	_ =	sdelay $0x1  }
0x67d: {  	v1 =	vshll.u32 v1, $0x4  }
0x67e: {  	s29 =	sadd.s32 $0xFFFFFFF0, s29;
	[tilespmem:s2+$0x0] =	vst.msk vm0, v1;
	s2 =	sadd.s32 $0x10, s2;
	vm0 =	vmmov vm1  }
.LBB2_11:
0x67f: {  	_ =	sdelay $0x4  }
0x680: {  	v1 =	vld.msk [tilespmem:s2+$0x0 ss:$0x1], vm1;
	_ =	sdelay $0x4  }
0x681: {  	v1 =	vshll.u32 v1, $0x4  }
0x682: {  	[tilespmem:s2+$0x0] =	vst.msk vm0, v1  }
.LBB2_12:
0x683: {  	s2 =	sand.u32 $0x1, s22  }
0x684: {  	s2 =	smul.u32 $0x130, s2  }
0x685: {  	p3 =	sne.s32 s1, $0xFFFFFFFF  }
0x686: {  	v1 =	vld.msk @!p3 [tilespmem:s2+$0xCD18], $0x1;
	_ =	sdelay $0x4  }
0x687: {  	(v2sf) =	vpush @!p3 v1, $0x0;
	_ =	sdelay $0xc  }
.Ltmp12:
0x688: {  	_ = 	snop;
	(pc) =	sbr.rel @p2 .LBB2_23-.Ltmp12, $4  }
0x689: {  	_ = 	snop  }
0x68a: {  	s30 =	spop @!p3 (v2sf)  }
0x68b: {  	s23 =	simm.s32 @!p3 $0x0;
	s25 =	smov.u32 s30  }
0x68c: {  	[sflag:s19] =	ssyncpa.u1 $0x0;
	s30 =	smov.u32 @p3 s28;
	s25 =	smov.u32 @p3 s1  }
0x68d: {  	v1 =	vld.msk [tilespmem:s24+$0x0], $0x1;
	_ =	sdelay $0x4  }
0x68e: {  	(v2sf) =	vpush v1, $0x0;
	_ =	sdelay $0xd  }
0x68f: {  	s2 =	smul.u32 $0x26000, s26  }
0x690: {  	s26 =	ssub.s32 $0x0, s0;
	s28 =	simm.s32 $0x0;
	s1 =	spop (v2sf)  }
0x691: {  	s8 =	smov.u32 s30;
	s0 =	sadd.s32 $0x1, s26;
	p2 =	seq.s32 s30, s1  }
0x692: {  	p4 =	seq.s32 s0, $0x0;
	p3 =	sgt.s32 @!p2 s30, $0x0;
	s7 =	smul.u32 @!p2 $0x140, s28  }
.Ltmp13:
0x693: {  	s2 =	sshrl.u32 s2, $0x2;
	p3 =	por !p3, p2;
	(pc) =	sbr.rel @p4 .LBB2_15-.Ltmp13, $4  }
0x694: {  	s29 =	sadd.s32 $0xCF98, s2;
	s8 =	simm.s32 @p3 $0x0  }
0x695: {  	s2 =	simm.s32 @!p2 $0x1;
	s7 =	sshra.s32 @!p2 s7, $0x2;
	s11 =	smin.u32 @!p2 s8, $0x80076  }
0x696: {  	s2 =	smov.u32 @p2 s28;
	s8 =	sadd.s32 @!p2 $0x5FF8, s7;
	s31 =	sand.u32 @!p2 $0xFFFF8, s11  }
0x697: {  	s7 =	sand.u32 @!p2 $0x7, s11;
	s11 =	sadd.s32 @!p2 s6, s31;
	s31 =	sadd.s32 $0x1, s24  }
.LBB2_14:
0x698: {  	s12 =	smov.u32 s2  }
0x699: {  	[tilespmem:s8], [sflag:$0x2] =	stream.linear.gather @!p2 [hbm4b:s11+s7], $0x50, $0x38;
	[tilespmem:$0x1FF78] =	vst v63  }
0x69a: {  	s0 =	sadd.s32 $0x1, s0;
	s7 =	smov.u32 s1;
	v1 =	vld.msk [tilespmem:s31+$0x0], $0x1  }
0x69b: {  	p3 =	seq.s32 s0, $0x0;
	_ =	sdelay $0x3  }
0x69c: {  	(v2sf) =	vpush v1, $0x0;
	_ =	sdelay $0xe  }
0x69d: {  	s1 =	spop (v2sf)  }
0x69e: {  	p2 =	seq.s32 s7, s1  }
0x69f: {  	p4 =	sgt.s32 @!p2 s7, $0x0;
	s8 =	smul.u32 @!p2 $0x140, s2;
	s2 =	sadd.s32 @!p2 $0x1, s2  }
.Ltmp14:
0x6a0: {  	p4 =	por !p4, p2;
	s2 =	smov.u32 @p2 s12;
	(pc) =	sbr.rel @!p3 .LBB2_14-.Ltmp14, $4  }
0x6a1: {  	s7 =	simm.s32 @p4 $0x0;
	s8 =	sshra.s32 @!p2 s8, $0x2  }
0x6a2: {  	s7 =	smin.u32 @!p2 s7, $0x80076;
	s8 =	sadd.s32 @!p2 $0x5FF8, s8  }
0x6a3: {  	s11 =	sand.u32 @!p2 $0xFFFF8, s7;
	s7 =	sand.u32 @!p2 $0x7, s7  }
0x6a4: {  	s31 =	sadd.s32 $0x1, s31;
	s11 =	sadd.s32 @!p2 s6, s11  }
.LBB2_15:
0x6a5: {  	s0 =	smul.u32 $0x140, s2  }
0x6a6: {  	[tilespmem:s8], [sflag:$0x2] =	stream.linear.gather @!p2 [hbm4b:s11+s7], $0x50, $0x38;
	[tilespmem:$0x1FF78] =	vst v63  }
.Ltmp15:
0x6a7: {  	_ = 	snop;
	(pc) =	sbr.rel .LBB2_16-.Ltmp15, $4  }
0x6a8: {  	s1 =	simm.s32 $0x2;
	s0 =	sshrl.u32 s0, $0x2  }
0x6a9: {  	_ =	swait.ge [sflag:s1], s0  }
0x6aa: {  	s0 =	ssub.s32 $0x0, s0;
	[sflag:s1] =	ssyncset.done $0x0  }
0x6ab: {  	[sflag:s1] =	ssyncadd.s32 s0;
	s0 =	simm.s32 $0x0  }
.LBB2_17:
0x6ac: {  	v1 =	vld [tilespmem:s29+$0xFFFFFFE0];
	_ =	sdelay $0x4  }
0x6ad: {  	[tilespmem:s1+$0xA8] =	vst.add.f32.msk $0xffff, v1  }
0x6ae: {  	v1 =	vld [tilespmem:s29+$0xFFFFFFF0];
	_ =	sdelay $0x4  }
0x6af: {  	[tilespmem:s1+$0xB8] =	vst.add.f32.msk $0xffff, v1  }
0x6b0: {  	v1 =	vld [tilespmem:s29+$0x0];
	_ =	sdelay $0x4  }
0x6b1: {  	[tilespmem:s1+$0xC8] =	vst.add.f32.msk $0xffff, v1  }
0x6b2: {  	v1 =	vld [tilespmem:s29+$0x10];
	_ =	sdelay $0x4  }
0x6b3: {  	[tilespmem:s1+$0xD8] =	vst.add.f32.msk $0xffff, v1  }
0x6b4: {  	v1 =	vld [tilespmem:s29+$0x20];
	_ =	sdelay $0x4  }
0x6b5: {  	[tilespmem:s1+$0xE8] =	vst.add.f32.msk $0xffff, v1  }
.LBB2_21:
0x6b6: {  	s26 =	sadd.s32 $0x1, s26  }
0x6b7: {  	p2 =	seq.s32 s26, $0x0  }
.Ltmp16:
0x6b8: {  	_ = 	snop;
	(pc) =	sbr.rel @p2 .LBB2_22-.Ltmp16, $2  }
0x6b9: {  	_ =	sdelay $0x2  }
0x6ba: {  	s24 =	sadd.s32 $0x1, s24;
	s29 =	sadd.s32 $0x80, s29;
	s30 =	smov.u32 s31  }
.LBB2_16:
0x6bb: {  	v1 =	vld.msk [tilespmem:s24+$0x0], $0x1;
	_ =	sdelay $0x4  }
0x6bc: {  	(v2sf) =	vpush v1, $0x0;
	_ =	sdelay $0xe  }
0x6bd: {  	s31 =	spop (v2sf)  }
0x6be: {  	p2 =	sne.s32 s30, s31  }
.Ltmp17:
0x6bf: {  	_ = 	snop;
	(pc) =	sbr.rel @!p2 .LBB2_17-.Ltmp17, $3  }
0x6c0: {  	_ = 	snop  }
0x6c1: {  	s1 =	smul.u32 $0x140, s23;
	_ =	sdelay $0x1  }
0x6c2: {  	s1 =	sshra.s32 s1, $0x2  }
0x6c3: {  	p2 =	seq.s32 s30, s25  }
.Ltmp18:
0x6c4: {  	_ = 	snop;
	(pc) =	sbr.rel @!p2 .LBB2_19-.Ltmp18, $1  }
0x6c5: {  	_ =	sdelay $0x3  }
.Ltmp19:
0x6c6: {  	s1 =	sadd.s32 $0xA8, s1;
	(pc) =	sbr.rel .LBB2_20-.Ltmp19, $4  }
0x6c7: {  	[spmem:s16] =	stream.linear.scatter [tilespmem:s1], [sflag:$0x1], $0x50, $0x38;
	[tilespmem:$0x1FF78] =	vst v63  }
0x6c8: {  	_ =	swait.ge [sflag:s4], $0x50  }
0x6c9: {  	[sflag:s4] =	ssyncset.done $0x0  }
0x6ca: {  	[sflag:s4] =	ssyncadd.s32 $0xFFFFFFB0  }
.LBB2_19:
0x6cb: {  	s2 =	smul.u32 $0x140, s28;
	_ =	sdelay $0x1  }
0x6cc: {  	s2 =	sshra.s32 s2, $0x2  }
0x6cd: {  	v1 =	vld [tilespmem:s2+$0x5FF8];
	_ =	sdelay $0x4  }
0x6ce: {  	[tilespmem:s1+$0xA8] =	vst.add.f32.msk $0xffff, v1  }
0x6cf: {  	v1 =	vld [tilespmem:s2+$0x6008];
	_ =	sdelay $0x4  }
0x6d0: {  	[tilespmem:s1+$0xB8] =	vst.add.f32.msk $0xffff, v1  }
0x6d1: {  	v1 =	vld [tilespmem:s2+$0x6018];
	_ =	sdelay $0x4  }
0x6d2: {  	[tilespmem:s1+$0xC8] =	vst.add.f32.msk $0xffff, v1  }
0x6d3: {  	v1 =	vld [tilespmem:s2+$0x6028];
	_ =	sdelay $0x4  }
0x6d4: {  	[tilespmem:s1+$0xD8] =	vst.add.f32.msk $0xffff, v1  }
0x6d5: {  	v1 =	vld [tilespmem:s2+$0x6038];
	_ =	sdelay $0x2  }
0x6d6: {  	p2 =	sgt.u32 s30, $0x80076  }
0x6d7: {  	s2 =	sand.u32 @!p2 $0xFFFF8, s30  }
0x6d8: {  	s7 =	sadd.s32 $0xA8, s1;
	[tilespmem:s1+$0xE8] =	vst.add.f32.msk $0xffff, v1;
	s1 =	sadd.s32 @!p2 s6, s2;
	s2 =	sand.u32 @!p2 $0x7, s30  }
0x6d9: {  	[hbm4b:s1+s2] =	stream.linear.scatter @!p2 [tilespmem:s7], [sflag:$0xC], $0x50, $0x38;
	[tilespmem:$0x1FF78] =	vst v63  }
0x6da: {  	s1 =	simm.s32 $0x0  }
0x6db: {  	s1 =	simm.s32 @!p2 $0x140  }
0x6dc: {  	s0 =	sadd.s32 s1, s0  }
.LBB2_20:
0x6dd: {  	s1 =	sadd.s32 $0x1, s23  }
0x6de: {  	s2 =	sshrl.u32 s1, $0x4  }
0x6df: {  	s2 =	smulhi.u32 $0xD79435F, s2;
	_ =	sdelay $0x1  }
0x6e0: {  	s2 =	smul.u32 $0x130, s2  }
0x6e1: {  	v1 =	vld [tilespmem:s29+$0xFFFFFFE0]  }
0x6e2: {  	s23 =	ssub.s32 s1, s2  }
0x6e3: {  	s1 =	smul.u32 $0x140, s23;
	_ =	sdelay $0x1  }
0x6e4: {  	s1 =	sshrl.u32 s1, $0x2  }
0x6e5: {  	[tilespmem:s1+$0xA8] =	vst v1  }
0x6e6: {  	v1 =	vld [tilespmem:s29+$0xFFFFFFF0];
	_ =	sdelay $0x4  }
0x6e7: {  	[tilespmem:s1+$0xB8] =	vst v1  }
0x6e8: {  	v1 =	vld [tilespmem:s29+$0x0];
	_ =	sdelay $0x4  }
0x6e9: {  	[tilespmem:s1+$0xC8] =	vst v1  }
0x6ea: {  	v1 =	vld [tilespmem:s29+$0x10];
	_ =	sdelay $0x4  }
0x6eb: {  	[tilespmem:s1+$0xD8] =	vst v1  }
0x6ec: {  	v1 =	vld [tilespmem:s29+$0x20]  }
.Ltmp20:
0x6ed: {  	_ = 	snop;
	(pc) =	sbr.rel .LBB2_21-.Ltmp20, $2  }
0x6ee: {  	_ =	sdelay $0x2  }
0x6ef: {  	s28 =	sadd.s32 $0x1, s28;
	[tilespmem:s1+$0xE8] =	vst v1  }
.LBB2_23:
.Ltmp21:
0x6f0: {  	(pc) =	sbr.rel .LBB2_24-.Ltmp21, $4  }
0x6f1: {  	_ = 	snop  }
0x6f2: {  	s0 =	simm.s32 $0x2  }
0x6f3: {  	_ =	swait.ge [sflag:s0], $0x0  }
0x6f4: {  	s31 =	smov.u32 s30;
	[sflag:s0] =	ssyncset.done $0x0;
	s0 =	simm.s32 $0x0  }
.LBB2_26:
0x6f5: {  	_ =	sfence.sel $0x180000  }
0x6f6: {  	s0 =	simm.s32 $0x9;
	[bflag:$0x0] =	sbarrier.arrive $0xFFFF  }
0x6f7: {  	s24 =	simm.s32 $0xA;
	[sflag:s0] =	ssyncpa.u1 $0x1  }
0x6f8: {  	s25 =	simm.s32 $0xB;
	[sflag:s24] =	ssyncpa.u1 $0x1  }
0x6f9: {  	s26 =	simm.s32 $0x2;
	[sflag:s25] =	ssyncpa.u1 $0x1  }
0x6fa: {  	[sflag:s26] =	ssyncpa.u1 $0x1  }
0x6fb: {  	v0 =	vld [tilespmem:$0xBF48];
	_ =	sdelay $0x4  }
0x6fc: {  	(v2sf) =	vpush v0, $0x0  }
0x6fd: {  	(v2sf) =	vpush v0, $0x1  }
0x6fe: {  	(v2sf) =	vpush v0, $0x2;
	_ =	sdelay $0xc  }
0x6ff: {  	s0 =	spop (v2sf)  }
0x700: {  	s1 =	spop (v2sf)  }
0x701: {  	s2 =	smov.u32 s0;
	p0 =	sne.s32 s0, s1;
	s3 =	spop (v2sf)  }
0x702: {  	s2 =	simm.s32 @!p0 $0xFFFFFFFF;
	p0 =	seq.s32 s3, $0xFFFFFFFF  }
0x703: {  	v2 =	vimm.s32 $0x1;
	v3 =	vlaneseq.u32;
	v1 =	vmov s2;
	p1 =	sne.s32 @!p0 s0, s1  }
0x704: {  	s14 =	stileid.u32;
	v0 =	vperm.xlane v0, v2;
	s0 =	simm.s32 @!p0 $0x1;
	v1 =	vperm.xlane v1, v3;
	p1 =	por !p1, p0  }
0x705: {  	vm0 =	vcmask $0x3F04;
	s2 =	sshll.u32 s14, $0x1;
	s1 =	smul.u32 @!p0 $0x140, s3;
	s0 =	simm.s32 @p1 $0x0  }
0x706: {  	s5 =	simm.s32 $0xBF48;
	v0 =	vsel vm0, v1, v0;
	s0 =	sor.u32 @!p0 s0, s2  }
0x707: {  	s4 =	sor.u32 $0xA00, s2;
	s1 =	sshra.s32 @!p0 s1, $0x2;
	[tilespmem:$0xBF48] =	vst v0;
	s0 =	smul.u32 @!p0 $0x140, s0  }
0x708: {  	[spmem:s4] =	stream.linear.scatter [tilespmem:s5], [sflag:$0x1], $0x2, $0x38;
	[tilespmem:$0x1FF78] =	vst v63  }
0x709: {  	s1 =	sadd.s32 @!p0 $0xA8, s1;
	s0 =	sshrl.u32 @!p0 s0, $0x2  }
0x70a: {  	[spmem:s0] =	stream.linear.scatter @!p0 [tilespmem:s1], [sflag:$0x1], $0x50, $0x38;
	[tilespmem:$0x1FF78] =	vst v63  }
0x70b: {  	s0 =	simm.s32 @!p0 $0x52  }
0x70c: {  	s28 =	simm.s32 $0x1;
	s0 =	simm.s32 @p0 $0x2  }
0x70d: {  	_ =	swait.ge [sflag:s28], s0  }
0x70e: {  	s0 =	ssub.s32 $0x0, s0;
	[sflag:s28] =	ssyncset.done $0x0  }
0x70f: {  	p0 =	sne.s32 s14, $0x0;
	[sflag:s28] =	ssyncadd.s32 s0  }
.Ltmp22:
0x710: {  	_ =	sfence.stream.spmem;
	(pc) =	sbr.rel @p0 .LBB2_43-.Ltmp22, $4  }
0x711: {  	s29 =	simm.s32 $0x3;
	[bflag:$0x0] =	sbarrier.arrive $0xFFFF  }
0x712: {  	s30 =	simm.s32 $0x4;
	[sflag:s29] =	ssyncpa.u1 $0x1  }
0x713: {  	s31 =	simm.s32 $0x3C;
	[sflag:s30] =	ssyncpa.u1 $0x1  }
0x714: {  	s15 =	rddreg [dreg:$0x5];
	[sflag:s31] =	ssyncpa.u1 $0x1  }
0x715: {  	_ =	sfence.stream.spmem;
	s0 =	simm.s32 $0x5  }
0x716: {  	s1 =	simm.s32 $0xA00;
	s2 =	simm.s32 $0xBF58;
	[sflag:s0] =	ssyncpa.u1 $0x0  }
0x717: {  	[tilespmem:s2], [sflag:$0x5] =	stream.linear.gather [spmem:s1], $0x20, $0x38;
	[tilespmem:$0x1FF78] =	vst v63  }
0x718: {  	s26 =	simm.s32 $0x0;
	s28 =	simm.s32 $0xBF78  }
0x719: {  	[tilespmem:s28], [sflag:$0x5] =	stream.linear.gather [spmem:s26], $0xA00, $0x38;
	[tilespmem:$0x1FF78] =	vst v63  }
0x71a: {  	_ =	swait.ge [sflag:s0], $0xA20  }
0x71b: {  	[sflag:s0] =	ssyncset.done $0x0  }
0x71c: {  	s29 =	simm.s32 $0x0;
	[sflag:s0] =	ssyncadd.s32 $0xFFFFF5E0  }
0x71d: {  	v0 =	vld.msk [tilespmem:s29+$0xBF58], $0x1;
	_ =	sdelay $0x1  }
0x71e: {  	s30 =	simm.s32 $0x1  }
0x71f: {  	v1 =	vld.msk [tilespmem:s30+$0xBF58], $0x1;
	_ =	sdelay $0x1  }
0x720: {  	(v2sf) =	vpush v0, $0x0;
	_ =	sdelay $0x2  }
0x721: {  	(v2sf) =	vpush v1, $0x0;
	_ =	sdelay $0x2  }
0x722: {  	s31 =	simm.s32 $0x2  }
0x723: {  	v0 =	vld.msk [tilespmem:s31+$0xBF58], $0x1;
	_ =	sdelay $0x2  }
0x724: {  	s1 =	simm.s32 $0xFFFFFFFF;
	s2 =	simm.s32 $0xFFFFFFFF;
	s0 =	simm.s32 $0xC  }
.LBB2_28:
0x725: {  	s3 =	smov.u32 s2;
	s4 =	smov.u32 s1  }
0x726: {  	s1 =	sshra.s32 s0, $0x2;
	p1 =	sne.s32 s0, $0x7C;
	s0 =	sadd.s32 $0x4, s0;
	(v2sf) =	vpush v0, $0x0  }
0x727: {  	v0 =	vld.msk [tilespmem:s1+$0xBF58], $0x1  }
.Ltmp23:
0x728: {  	(pc) =	sbr.rel @p1 .LBB2_28-.Ltmp23, $4  }
0x729: {  	s2 =	spop (v2sf)  }
0x72a: {  	p2 =	sne.s32 s4, $0xFFFFFFFF;
	s1 =	smov.u32 s2  }
0x72b: {  	p3 =	seq.s32 s2, $0xFFFFFFFF;
	s1 =	smov.u32 @p2 s4  }
0x72c: {  	s2 =	smov.u32 @p3 s3;
	s1 =	smov.u32 @p3 s4  }
0x72d: {  	(v2sf) =	vpush v0, $0x0;
	_ =	sdelay $0x8  }
0x72e: {  	s0 =	spop (v2sf)  }
0x72f: {  	p1 =	sne.s32 s1, $0xFFFFFFFF;
	s3 =	smov.u32 s0  }
0x730: {  	s9 =	simm.s32 $0x6;
	p2 =	seq.s32 s0, $0xFFFFFFFF;
	s3 =	smov.u32 @p1 s1  }
0x731: {  	s10 =	simm.s32 $0xBEF8;
	s3 =	smov.u32 @p2 s1;
	s1 =	spop (v2sf)  }
0x732: {  	s0 =	smov.u32 @p2 s2;
	p1 =	sne.s32 s3, $0xFFFFFFFF;
	s7 =	smov.u32 s1  }
.Ltmp24:
0x733: {  	p2 =	seq.s32 s1, $0xFFFFFFFF;
	s7 =	smov.u32 @p1 s3;
	(pc) =	sbr.rel .LBB2_30-.Ltmp24, $4  }
0x734: {  	s11 =	simm.s32 $0x0;
	s7 =	smov.u32 @p2 s3;
	s4 =	spop (v2sf)  }
0x735: {  	[sflag:s9] =	ssyncpa.u1 $0x0;
	p1 =	sne.s32 s7, $0xFFFFFFFF;
	s5 =	smov.u32 s4  }
0x736: {  	s1 =	smov.u32 @p2 s0;
	p2 =	seq.s32 s4, $0xFFFFFFFF;
	s5 =	smov.u32 @p1 s7  }
0x737: {  	s3 =	simm.s32 $0x0;
	s4 =	smov.u32 @p2 s1;
	s5 =	smov.u32 @p2 s7  }
.LBB2_36:
0x738: {  	p1 =	sgt.u32 s0, $0x80076  }
0x739: {  	p2 =	seq.s32 @!p1 s0, s5  }
0x73a: {  	p1 =	por p1, p2  }
0x73b: {  	p2 =	sne.s32 @!p1 s0, s4  }
0x73c: {  	p1 =	por p1, !p2  }
0x73d: {  	s0 =	smul.u32 @p1 $0x140, s11;
	_ =	sdelay $0x1  }
0x73e: {  	s1 =	sand.u32 @!p1 $0xFFFF8, s0  }
0x73f: {  	s0 =	sand.u32 @!p1 $0x7, s0;
	s1 =	sadd.s32 @!p1 s6, s1  }
0x740: {  	[tilespmem:s10], [sflag:$0x6] =	stream.linear.gather @!p1 [hbm4b:s1+s0], $0x50, $0x38;
	[tilespmem:$0x1FF78] =	vst v63  }
0x741: {  	_ =	swait.ge @!p1 [sflag:s9], $0x50  }
0x742: {  	[sflag:s9] =	ssyncset.done @!p1 $0x0  }
0x743: {  	[sflag:s9] =	ssyncadd.s32 @!p1 $0xFFFFFFB0  }
0x744: {  	v1 =	vld @!p1 [tilespmem:$0xBEF8];
	_ =	sdelay $0x1  }
0x745: {  	s0 =	smul.u32 @!p1 $0x140, s11;
	_ =	sdelay $0x1  }
0x746: {  	s1 =	sshra.s32 @!p1 s0, $0x2  }
0x747: {  	[tilespmem:s1+$0xBF78] =	vst.add.f32.msk @!p1 $0xffff, v1  }
0x748: {  	v1 =	vld @!p1 [tilespmem:$0xBF08];
	_ =	sdelay $0x4  }
0x749: {  	[tilespmem:s1+$0xBF88] =	vst.add.f32.msk @!p1 $0xffff, v1  }
0x74a: {  	v1 =	vld @!p1 [tilespmem:$0xBF18];
	_ =	sdelay $0x4  }
0x74b: {  	[tilespmem:s1+$0xBF98] =	vst.add.f32.msk @!p1 $0xffff, v1  }
0x74c: {  	v1 =	vld @!p1 [tilespmem:$0xBF28];
	_ =	sdelay $0x4  }
0x74d: {  	[tilespmem:s1+$0xBFA8] =	vst.add.f32.msk @!p1 $0xffff, v1  }
0x74e: {  	v1 =	vld @!p1 [tilespmem:$0xBF38];
	_ =	sdelay $0x4  }
0x74f: {  	[tilespmem:s1+$0xBFB8] =	vst.add.f32.msk @!p1 $0xffff, v1  }
0x750: {  	s0 =	sshra.s32 s0, $0x2;
	[tilespmem:s3+$0xBF58] =	vst.msk $0x1, v0  }
0x751: {  	v0 =	vld [tilespmem:s0+$0xBF78];
	_ =	sdelay $0x1  }
0x752: {  	s31 =	smul.u32 $0x140, s3;
	_ =	sdelay $0x1  }
0x753: {  	s1 =	sshra.s32 s31, $0x2  }
0x754: {  	[tilespmem:s1+$0xBF78] =	vst v0  }
0x755: {  	v0 =	vld [tilespmem:s0+$0xBF88];
	_ =	sdelay $0x4  }
0x756: {  	[tilespmem:s1+$0xBF88] =	vst v0  }
0x757: {  	v0 =	vld [tilespmem:s0+$0xBF98];
	_ =	sdelay $0x4  }
0x758: {  	[tilespmem:s1+$0xBF98] =	vst v0  }
0x759: {  	v0 =	vld [tilespmem:s0+$0xBFA8];
	_ =	sdelay $0x4  }
0x75a: {  	[tilespmem:s1+$0xBFA8] =	vst v0  }
0x75b: {  	v0 =	vld [tilespmem:s0+$0xBFB8];
	_ =	sdelay $0x4  }
0x75c: {  	s3 =	sadd.s32 $0x1, s3;
	[tilespmem:s1+$0xBFB8] =	vst v0  }
.LBB2_37:
0x75d: {  	s11 =	sadd.s32 $0x1, s11  }
0x75e: {  	p1 =	sne.s32 s11, $0x20  }
.Ltmp25:
0x75f: {  	_ = 	snop;
	(pc) =	sbr.rel @!p1 .LBB2_38-.Ltmp25, $1  }
0x760: {  	_ =	sdelay $0x3  }
.LBB2_30:
0x761: {  	v0 =	vld.msk [tilespmem:s11+$0xBF58], $0x1;
	_ =	sdelay $0x4  }
0x762: {  	(v2sf) =	vpush v0, $0x0;
	_ =	sdelay $0xe  }
0x763: {  	s0 =	spop (v2sf)  }
0x764: {  	p1 =	seq.s32 s0, $0xFFFFFFFF  }
.Ltmp26:
0x765: {  	_ = 	snop;
	(pc) =	sbr.rel @p1 .LBB2_37-.Ltmp26, $1  }
0x766: {  	_ =	sdelay $0x3  }
0x767: {  	p1 =	slt.s32 s3, $0x1  }
.Ltmp27:
0x768: {  	_ = 	snop;
	(pc) =	sbr.rel @p1 .LBB2_36-.Ltmp27, $1  }
0x769: {  	_ =	sdelay $0x3  }
0x76a: {  	s12 =	simm.s32 $0xBF58;
	p1 =	por $0x0, $0x0  }
0x76b: {  	v1 =	vld.msk @!p1 [tilespmem:s12+$0x0], $0x1;
	_ =	sdelay $0x4  }
0x76c: {  	(v2sf) =	vpush @!p1 v1, $0x0;
	_ =	sdelay $0xd  }
0x76d: {  	p3 =	sne.s32 s3, $0x1  }
.Ltmp28:
0x76e: {  	s1 =	spop @!p1 (v2sf);
	(pc) =	sbr.rel @!p3 .LBB2_34-.Ltmp28, $4  }
0x76f: {  	p2 =	seq.s32 @!p1 s0, s1  }
0x770: {  	s13 =	simm.s32 $0x0;
	p2 =	por !p2, p1  }
0x771: {  	s2 =	simm.s32 $0xFFFFFFFF;
	s13 =	simm.s32 @p2 $0xFFFFFFFF  }
0x772: {  	s1 =	simm.s32 $0x1;
	s13 =	smov.u32 @p1 s2  }
.LBB2_33:
0x773: {  	s2 =	smov.u32 s13;
	p1 =	sne.s32 s13, $0xFFFFFFFF  }
0x774: {  	s12 =	sadd.s32 $0x1, s12;
	s13 =	smov.u32 s1;
	s1 =	sadd.s32 $0x1, s1  }
0x775: {  	p2 =	sne.s32 s3, s1;
	v1 =	vld.msk @!p1 [tilespmem:s12+$0x0], $0x1;
	_ =	sdelay $0x4  }
0x776: {  	(v2sf) =	vpush @!p1 v1, $0x0;
	_ =	sdelay $0xe  }
.Ltmp29:
0x777: {  	s7 =	spop @!p1 (v2sf);
	(pc) =	sbr.rel @p2 .LBB2_33-.Ltmp29, $4  }
0x778: {  	p3 =	seq.s32 @!p1 s0, s7  }
0x779: {  	p3 =	por !p3, p1  }
0x77a: {  	s13 =	simm.s32 @p3 $0xFFFFFFFF  }
0x77b: {  	s13 =	smov.u32 @p1 s2  }
.LBB2_34:
0x77c: {  	p1 =	seq.s32 s13, $0xFFFFFFFF  }
.Ltmp30:
0x77d: {  	_ = 	snop;
	(pc) =	sbr.rel @p1 .LBB2_36-.Ltmp30, $1  }
0x77e: {  	_ =	sdelay $0x3  }
0x77f: {  	s0 =	smul.u32 $0x140, s11;
	_ =	sdelay $0x1  }
0x780: {  	s0 =	sshra.s32 s0, $0x2  }
0x781: {  	v0 =	vld [tilespmem:s0+$0xBF78];
	_ =	sdelay $0x1  }
0x782: {  	s1 =	smul.u32 $0x140, s13;
	_ =	sdelay $0x1  }
0x783: {  	s1 =	sshra.s32 s1, $0x2  }
0x784: {  	[tilespmem:s1+$0xBF78] =	vst.add.f32.msk $0xffff, v0  }
0x785: {  	v0 =	vld [tilespmem:s0+$0xBF88];
	_ =	sdelay $0x4  }
0x786: {  	[tilespmem:s1+$0xBF88] =	vst.add.f32.msk $0xffff, v0  }
0x787: {  	v0 =	vld [tilespmem:s0+$0xBF98];
	_ =	sdelay $0x4  }
0x788: {  	[tilespmem:s1+$0xBF98] =	vst.add.f32.msk $0xffff, v0  }
0x789: {  	v0 =	vld [tilespmem:s0+$0xBFA8];
	_ =	sdelay $0x4  }
0x78a: {  	[tilespmem:s1+$0xBFA8] =	vst.add.f32.msk $0xffff, v0  }
0x78b: {  	v0 =	vld [tilespmem:s0+$0xBFB8]  }
.Ltmp31:
0x78c: {  	_ = 	snop;
	(pc) =	sbr.rel .LBB2_37-.Ltmp31, $2  }
0x78d: {  	_ =	sdelay $0x2  }
0x78e: {  	[tilespmem:s1+$0xBFB8] =	vst.add.f32.msk $0xffff, v0  }
.LBB2_38:
0x78f: {  	s0 =	simm.s32 $0x6;
	p1 =	seq.s32 s3, $0x0  }
0x790: {  	[sflag:s0] =	ssyncpa.u1 $0x1;
	v0 =	vimm.s32 @p1 $0xFFFFFFFF  }
0x791: {  	s0 =	sadd.s32 $0xFFFFFFFF, s3;
	[tilespmem:$0xC978] =	vst @p1 v0  }
0x792: {  	v0 =	vld.msk @!p1 [tilespmem:s0+$0xBF58], $0x1;
	_ =	sdelay $0x1  }
0x793: {  	v1 =	vld.msk @!p1 [tilespmem:$0xBF58], $0x1;
	_ =	sdelay $0x2  }
0x794: {  	p2 =	seq.s32 @!p1 s0, $0x0;
	v0 =	vbroadcast @!p1 v0, $0x0  }
0x795: {  	vm0 =	vmmov @!p1 $0x1;
	p3 =	por !p2, p1  }
0x796: {  	p2 =	sne.s32 @!p1 s5, s4;
	v1 =	vnsel @!p1 vm0, $0xFFFFFFFF, v1;
	vm0 =	vcmask @!p1 $0x308;
	v0 =	vpsel !p3, $0xFFFFFFFF, v0  }
0x797: {  	p3 =	por !p2, p1;
	v0 =	vsel @!p1 vm0, v1, v0  }
0x798: {  	s1 =	simm.s32 @!p1 $0xBF78;
	s2 =	simm.s32 @!p1 $0x0;
	s4 =	smul.u32 @!p3 $0x140, s0;
	[tilespmem:$0xC978] =	vst @!p1 v0  }
0x799: {  	[spmem:s2] =	stream.linear.scatter @!p1 [tilespmem:s1], [sflag:$0x1], $0x50, $0x38;
	[tilespmem:$0x1FF78] =	vst v63  }
0x79a: {  	s1 =	sshra.s32 @!p3 s4, $0x2  }
0x79b: {  	s2 =	simm.s32 @!p3 $0x50;
	s1 =	sadd.s32 @!p3 $0xBF78, s1  }
0x79c: {  	[spmem:s2] =	stream.linear.scatter @!p3 [tilespmem:s1], [sflag:$0x1], $0x50, $0x38;
	[tilespmem:$0x1FF78] =	vst v63  }
0x79d: {  	s1 =	simm.s32 @!p3 $0x1  }
0x79e: {  	_ =	swait.ge @!p3 [sflag:s1], $0xA0  }
0x79f: {  	p1 =	por p2, p1;
	[sflag:s1] =	ssyncset.done @!p3 $0x0  }
0x7a0: {  	[sflag:s1] =	ssyncadd.s32 @!p3 $0xFFFFFF60;
	s1 =	simm.s32 @!p1 $0x1  }
0x7a1: {  	_ =	swait.ge @!p1 [sflag:s1], $0x50  }
0x7a2: {  	s29 =	simm.s32 $0xC978;
	[sflag:s1] =	ssyncset.done @!p1 $0x0  }
0x7a3: {  	s30 =	simm.s32 $0xA00;
	s31 =	simm.s32 $0x1;
	[sflag:s1] =	ssyncadd.s32 @!p1 $0xFFFFFFB0  }
0x7a4: {  	[spmem:s30] =	stream.linear.scatter [tilespmem:s29], [sflag:$0x1], $0x10, $0x38;
	[tilespmem:$0x1FF78] =	vst v63  }
0x7a5: {  	_ =	swait.ge [sflag:s31], $0x10  }
0x7a6: {  	[sflag:s31] =	ssyncset.done $0x0  }
0x7a7: {  	p1 =	seq.s32 s15, $0x0;
	s9 =	rddreg [dreg:$0x2];
	[sflag:s31] =	ssyncadd.s32 $0xFFFFFFF0  }
0x7a8: {  	s2 =	sshll.u32 @p1 s9, $0xE;
	s8 =	rddreg [dreg:$0x3]  }
0x7a9: {  	s1 =	sadd.s32 @p1 $0x15C3C, s2;
	s2 =	sshll.u32 @p1 s8, $0x11  }
0x7aa: {  	_ =	sfence.stream.spmem;
	s1 =	sor.u32 @p1 s2, s1  }
0x7ab: {  	[sflag:s1] =	ssyncadd.remote.s32 @p1 $0x1;
	s1 =	simm.s32 @p1 $0x4  }
0x7ac: {  	s4 =	simm.s32 @!p1 $0x3C;
	s2 =	sand.u32 $0xFFFFFFFE, s9;
	_ =	swait.ge @p1 [sflag:s1], $0x16  }
0x7ad: {  	s5 =	simm.s32 @!p1 $0x0;
	s2 =	sadd.s32 @!p1 $0x4, s2;
	[sflag:s1] =	ssyncset.done @p1 $0x0  }
0x7ae: {  	s7 =	simm.s32 @!p1 $0xA0;
	[sflag:s1] =	ssyncadd.s32 @p1 $0xFFFFFFEA;
	s1 =	sshll.u32 @!p1 s2, $0x1A  }
0x7af: {  	s2 =	sshll.u32 @!p1 s2, $0xD;
	s1 =	sor.u32 @!p1 s1, s8;
	_ =	swait.eq @!p1 [sflag:s4], $0x1  }
0x7b0: {  	s2 =	sor.u32 @!p1 $0x1C04, s2;
	s4 =	simm.s32 @!p1 $0x1C03;
	s1 =	sor.u32 @!p1 $0x80004000, s1  }
0x7b1: {  	[spmem:s7], [sflag:s2] =	dma.general @!p1 [spmem:s5], [sflag:s4], length:$0x14, [dreg:$0x0], stride_count:$0x0, ici_dest:s1, dma_misc:DstOpCode:WRITE  }
0x7b2: {  	p2 =	slt.s32 s0, $0x2;
	s5 =	simm.s32 @!p1 $0x140;
	s7 =	simm.s32 @!p1 $0x142  }
0x7b3: {  	[spmem:s7], [sflag:s2] =	dma.general @!p1 [spmem:s5], [sflag:s4], length:$0x2, [dreg:$0x0], stride_count:$0x0, ici_dest:s1, dma_misc:DstOpCode:WRITE  }
.Ltmp32:
0x7b4: {  	s1 =	simm.s32 @!p1 $0x3;
	(pc) =	sbr.rel @p2 .LBB2_42-.Ltmp32, $4  }
0x7b5: {  	s2 =	sshll.u32 @!p1 s9, $0xE;
	_ =	swait.ge @!p1 [sflag:s1], $0x16  }
0x7b6: {  	s4 =	sshll.u32 @!p1 s8, $0x11;
	s2 =	sadd.s32 @!p1 $0x11C3C, s2;
	[sflag:s1] =	ssyncset.done @!p1 $0x0  }
0x7b7: {  	[sflag:s1] =	ssyncadd.s32 @!p1 $0xFFFFFFEA;
	s1 =	sor.u32 @!p1 s4, s2  }
0x7b8: {  	s0 =	simm.s32 $0x0;
	[sflag:s1] =	ssyncadd.remote.s32 @!p1 $0xFFFFFFFF  }
0x7b9: {  	s0 =	simm.s32 $0xBF59  }
0x7ba: {  	v0 =	vld.msk [tilespmem:s0+$0x0], $0x1;
	_ =	sdelay $0x4  }
0x7bb: {  	(v2sf) =	vpush v0, $0x0;
	_ =	sdelay $0xc  }
0x7bc: {  	s1 =	sadd.s32 $0xFFFFFFFE, s3  }
0x7bd: {  	s1 =	sadd.s32 $0xFFFFFFFF, s1  }
0x7be: {  	p2 =	sne.s32 s1, $0x0;
	s2 =	spop (v2sf)  }
.Ltmp33:
0x7bf: {  	p1 =	sgt.u32 s2, $0x80076;
	(pc) =	sbr.rel @!p2 .LBB2_41-.Ltmp33, $4  }
0x7c0: {  	s4 =	simm.s32 $0x0;
	s3 =	sand.u32 @!p1 $0xFFFF8, s2  }
0x7c1: {  	s0 =	simm.s32 $0xBFC8;
	s2 =	sand.u32 @!p1 $0x7, s2;
	s3 =	sadd.s32 @!p1 s6, s3  }
0x7c2: {  	[hbm4b:s3+s2] =	stream.linear.scatter @!p1 [tilespmem:s0], [sflag:$0x5], $0x50, $0x38;
	[tilespmem:$0x1FF78] =	vst v63  }
0x7c3: {  	s4 =	simm.s32 @!p1 $0x140;
	s2 =	simm.s32 $0x0;
	s3 =	simm.s32 $0xBF5A  }
.LBB2_40:
0x7c4: {  	v0 =	vld.msk [tilespmem:s3+$0x0], $0x1;
	s1 =	sadd.s32 $0xFFFFFFFF, s1;
	s2 =	sadd.s32 s2, s4  }
0x7c5: {  	p1 =	sne.s32 s1, $0x0;
	_ =	sdelay $0x3  }
0x7c6: {  	(v2sf) =	vpush v0, $0x0;
	_ =	sdelay $0xe  }
.Ltmp34:
0x7c7: {  	s5 =	spop (v2sf);
	(pc) =	sbr.rel @p1 .LBB2_40-.Ltmp34, $4  }
0x7c8: {  	s4 =	simm.s32 $0x0;
	p2 =	sgt.u32 s5, $0x80076  }
0x7c9: {  	s0 =	sadd.s32 $0x50, s0;
	s4 =	simm.s32 @!p2 $0x140;
	s7 =	sand.u32 @!p2 $0xFFFF8, s5  }
0x7ca: {  	s3 =	sadd.s32 $0x1, s3;
	s5 =	sand.u32 @!p2 $0x7, s5;
	s7 =	sadd.s32 @!p2 s6, s7  }
0x7cb: {  	[hbm4b:s7+s5] =	stream.linear.scatter @!p2 [tilespmem:s0], [sflag:$0x5], $0x50, $0x38;
	[tilespmem:$0x1FF78] =	vst v63  }
.LBB2_41:
0x7cc: {  	s0 =	sadd.s32 s2, s4  }
0x7cd: {  	s0 =	sshrl.u32 s0, $0x2  }
.LBB2_42:
0x7ce: {  	s1 =	simm.s32 $0x5  }
0x7cf: {  	_ =	swait.ge [sflag:s1], s0  }
0x7d0: {  	s31 =	ssub.s32 $0x0, s0;
	[sflag:s1] =	ssyncset.done $0x0  }
0x7d1: {  	[sflag:s1] =	ssyncadd.s32 s31  }
0x7d2: {  	[sflag:s1] =	ssyncpa.u1 $0x1  }
.LBB2_43:
0x7d3: {  	s0 =	sor.u32 s15, s14  }
0x7d4: {  	p1 =	sne.s32 s0, $0x0  }
.Ltmp35:
0x7d5: {  	_ = 	snop;
	(pc) =	sbr.rel @p1 .LBB2_58-.Ltmp35, $3  }
0x7d6: {  	_ =	sdelay $0x1  }
0x7d7: {  	[bflag:$0x0] =	sbarrier.arrive $0xFFFF  }
0x7d8: {  	_ =	sfence  }
0x7d9: {  	s0 =	simm.s32 $0x7  }
0x7da: {  	s1 =	simm.s32 $0xA00;
	s2 =	simm.s32 $0xBF58;
	[sflag:s0] =	ssyncpa.u1 $0x0  }
0x7db: {  	[tilespmem:s2], [sflag:$0x7] =	stream.linear.gather [spmem:s1], $0x20, $0x38;
	[tilespmem:$0x1FF78] =	vst v63  }
0x7dc: {  	s30 =	simm.s32 $0xBF78;
	s1 =	simm.s32 $0x0  }
0x7dd: {  	[tilespmem:s30], [sflag:$0x7] =	stream.linear.gather [spmem:s1], $0xA00, $0x38;
	[tilespmem:$0x1FF78] =	vst v63  }
.Ltmp36:
0x7de: {  	_ = 	snop;
	(pc) =	sbr.rel .LBB2_45-.Ltmp36, $4  }
0x7df: {  	_ =	swait.ge [sflag:s0], $0xA20  }
0x7e0: {  	[sflag:s0] =	ssyncset.done $0x0  }
0x7e1: {  	s31 =	simm.s32 $0x8;
	[sflag:s0] =	ssyncadd.s32 $0xFFFFF5E0  }
0x7e2: {  	s2 =	simm.s32 $0x0;
	[sflag:s31] =	ssyncpa.u1 $0x0  }
.LBB2_51:
0x7e3: {  	p1 =	slt.u32 s0, $0x80077  }
0x7e4: {  	s3 =	sand.u32 @p1 $0xFFFF8, s0  }
0x7e5: {  	s0 =	sand.u32 @p1 $0x7, s0;
	s4 =	simm.s32 @p1 $0xBEF8;
	s3 =	sadd.s32 @p1 s6, s3  }
0x7e6: {  	[tilespmem:s4], [sflag:$0x8] =	stream.linear.gather @p1 [hbm4b:s3+s0], $0x50, $0x38;
	[tilespmem:$0x1FF78] =	vst v63  }
0x7e7: {  	s0 =	simm.s32 @p1 $0x8  }
0x7e8: {  	_ =	swait.ge @p1 [sflag:s0], $0x50  }
0x7e9: {  	[sflag:s0] =	ssyncset.done @p1 $0x0  }
0x7ea: {  	[sflag:s0] =	ssyncadd.s32 @p1 $0xFFFFFFB0  }
0x7eb: {  	v1 =	vld @p1 [tilespmem:$0xBEF8];
	_ =	sdelay $0x1  }
0x7ec: {  	s0 =	smul.u32 @p1 $0x140, s2;
	_ =	sdelay $0x1  }
0x7ed: {  	s3 =	sshra.s32 @p1 s0, $0x2  }
0x7ee: {  	[tilespmem:s3+$0xBF78] =	vst.add.f32.msk @p1 $0xffff, v1  }
0x7ef: {  	v1 =	vld @p1 [tilespmem:$0xBF08];
	_ =	sdelay $0x4  }
0x7f0: {  	[tilespmem:s3+$0xBF88] =	vst.add.f32.msk @p1 $0xffff, v1  }
0x7f1: {  	v1 =	vld @p1 [tilespmem:$0xBF18];
	_ =	sdelay $0x4  }
0x7f2: {  	[tilespmem:s3+$0xBF98] =	vst.add.f32.msk @p1 $0xffff, v1  }
0x7f3: {  	v1 =	vld @p1 [tilespmem:$0xBF28];
	_ =	sdelay $0x4  }
0x7f4: {  	[tilespmem:s3+$0xBFA8] =	vst.add.f32.msk @p1 $0xffff, v1  }
0x7f5: {  	v1 =	vld @p1 [tilespmem:$0xBF38];
	_ =	sdelay $0x2  }
0x7f6: {  	s4 =	smul.u32 @!p1 $0x140, s2;
	_ =	sdelay $0x1  }
0x7f7: {  	s4 =	smov.u32 @p1 s0;
	[tilespmem:s3+$0xBFB8] =	vst.add.f32.msk @p1 $0xffff, v1  }
0x7f8: {  	s0 =	sshra.s32 s4, $0x2;
	[tilespmem:s1+$0xBF58] =	vst.msk $0x1, v0  }
0x7f9: {  	v0 =	vld [tilespmem:s0+$0xBF78];
	_ =	sdelay $0x1  }
0x7fa: {  	s31 =	smul.u32 $0x140, s1;
	_ =	sdelay $0x1  }
0x7fb: {  	s3 =	sshra.s32 s31, $0x2  }
0x7fc: {  	[tilespmem:s3+$0xBF78] =	vst v0  }
0x7fd: {  	v0 =	vld [tilespmem:s0+$0xBF88];
	_ =	sdelay $0x4  }
0x7fe: {  	[tilespmem:s3+$0xBF88] =	vst v0  }
0x7ff: {  	v0 =	vld [tilespmem:s0+$0xBF98];
	_ =	sdelay $0x4  }
0x800: {  	[tilespmem:s3+$0xBF98] =	vst v0  }
0x801: {  	v0 =	vld [tilespmem:s0+$0xBFA8];
	_ =	sdelay $0x4  }
0x802: {  	[tilespmem:s3+$0xBFA8] =	vst v0  }
0x803: {  	v0 =	vld [tilespmem:s0+$0xBFB8];
	_ =	sdelay $0x4  }
0x804: {  	s1 =	sadd.s32 $0x1, s1;
	[tilespmem:s3+$0xBFB8] =	vst v0  }
.LBB2_52:
0x805: {  	s2 =	sadd.s32 $0x1, s2  }
0x806: {  	p1 =	sne.s32 s2, $0x20  }
.Ltmp37:
0x807: {  	_ = 	snop;
	(pc) =	sbr.rel @!p1 .LBB2_53-.Ltmp37, $1  }
0x808: {  	_ =	sdelay $0x3  }
.LBB2_45:
0x809: {  	v0 =	vld.msk [tilespmem:s2+$0xBF58], $0x1;
	_ =	sdelay $0x4  }
0x80a: {  	(v2sf) =	vpush v0, $0x0;
	_ =	sdelay $0xe  }
0x80b: {  	s0 =	spop (v2sf)  }
0x80c: {  	p1 =	seq.s32 s0, $0xFFFFFFFF  }
.Ltmp38:
0x80d: {  	_ = 	snop;
	(pc) =	sbr.rel @p1 .LBB2_52-.Ltmp38, $1  }
0x80e: {  	_ =	sdelay $0x3  }
0x80f: {  	p1 =	slt.s32 s1, $0x1  }
.Ltmp39:
0x810: {  	_ = 	snop;
	(pc) =	sbr.rel @p1 .LBB2_51-.Ltmp39, $1  }
0x811: {  	_ =	sdelay $0x3  }
0x812: {  	s3 =	simm.s32 $0xBF58;
	p1 =	por $0x0, $0x0  }
0x813: {  	v1 =	vld.msk @!p1 [tilespmem:s3+$0x0], $0x1;
	_ =	sdelay $0x4  }
0x814: {  	(v2sf) =	vpush @!p1 v1, $0x0;
	_ =	sdelay $0xd  }
0x815: {  	p3 =	sne.s32 s1, $0x1  }
.Ltmp40:
0x816: {  	s4 =	spop @!p1 (v2sf);
	(pc) =	sbr.rel @!p3 .LBB2_49-.Ltmp40, $4  }
0x817: {  	p2 =	seq.s32 @!p1 s0, s4  }
0x818: {  	s4 =	simm.s32 $0x0;
	p2 =	por !p2, p1  }
0x819: {  	s7 =	simm.s32 $0xFFFFFFFF;
	s4 =	simm.s32 @p2 $0xFFFFFFFF  }
0x81a: {  	s5 =	simm.s32 $0x1;
	s4 =	smov.u32 @p1 s7  }
.LBB2_48:
0x81b: {  	s7 =	smov.u32 s4;
	p1 =	sne.s32 s4, $0xFFFFFFFF  }
0x81c: {  	s3 =	sadd.s32 $0x1, s3;
	s4 =	smov.u32 s5;
	s5 =	sadd.s32 $0x1, s5  }
0x81d: {  	p2 =	sne.s32 s1, s5;
	v1 =	vld.msk @!p1 [tilespmem:s3+$0x0], $0x1;
	_ =	sdelay $0x4  }
0x81e: {  	(v2sf) =	vpush @!p1 v1, $0x0;
	_ =	sdelay $0xe  }
.Ltmp41:
0x81f: {  	s8 =	spop @!p1 (v2sf);
	(pc) =	sbr.rel @p2 .LBB2_48-.Ltmp41, $4  }
0x820: {  	p3 =	seq.s32 @!p1 s0, s8  }
0x821: {  	p3 =	por !p3, p1  }
0x822: {  	s4 =	simm.s32 @p3 $0xFFFFFFFF  }
0x823: {  	s4 =	smov.u32 @p1 s7  }
.LBB2_49:
0x824: {  	p1 =	seq.s32 s4, $0xFFFFFFFF  }
.Ltmp42:
0x825: {  	_ = 	snop;
	(pc) =	sbr.rel @p1 .LBB2_51-.Ltmp42, $1  }
0x826: {  	_ =	sdelay $0x3  }
0x827: {  	s0 =	smul.u32 $0x140, s2;
	_ =	sdelay $0x1  }
0x828: {  	s0 =	sshra.s32 s0, $0x2  }
0x829: {  	v0 =	vld [tilespmem:s0+$0xBF78];
	_ =	sdelay $0x1  }
0x82a: {  	s3 =	smul.u32 $0x140, s4;
	_ =	sdelay $0x1  }
0x82b: {  	s3 =	sshra.s32 s3, $0x2  }
0x82c: {  	[tilespmem:s3+$0xBF78] =	vst.add.f32.msk $0xffff, v0  }
0x82d: {  	v0 =	vld [tilespmem:s0+$0xBF88];
	_ =	sdelay $0x4  }
0x82e: {  	[tilespmem:s3+$0xBF88] =	vst.add.f32.msk $0xffff, v0  }
0x82f: {  	v0 =	vld [tilespmem:s0+$0xBF98];
	_ =	sdelay $0x4  }
0x830: {  	[tilespmem:s3+$0xBF98] =	vst.add.f32.msk $0xffff, v0  }
0x831: {  	v0 =	vld [tilespmem:s0+$0xBFA8];
	_ =	sdelay $0x4  }
0x832: {  	[tilespmem:s3+$0xBFA8] =	vst.add.f32.msk $0xffff, v0  }
0x833: {  	v0 =	vld [tilespmem:s0+$0xBFB8]  }
.Ltmp43:
0x834: {  	_ = 	snop;
	(pc) =	sbr.rel .LBB2_52-.Ltmp43, $2  }
0x835: {  	_ =	sdelay $0x2  }
0x836: {  	[tilespmem:s3+$0xBFB8] =	vst.add.f32.msk $0xffff, v0  }
.LBB2_53:
0x837: {  	p1 =	slt.s32 s1, $0x1  }
.Ltmp44:
0x838: {  	_ = 	snop;
	(pc) =	sbr.rel @p1 .LBB2_57-.Ltmp44, $3  }
0x839: {  	_ =	sdelay $0x1  }
0x83a: {  	s0 =	simm.s32 $0x8  }
0x83b: {  	[sflag:s0] =	ssyncpa.u1 $0x1;
	s0 =	simm.s32 $0x0  }
0x83c: {  	s2 =	simm.s32 $0xBF58  }
0x83d: {  	v0 =	vld.msk [tilespmem:s2+$0x0], $0x1;
	_ =	sdelay $0x4  }
0x83e: {  	(v2sf) =	vpush v0, $0x0;
	_ =	sdelay $0xe  }
0x83f: {  	s1 =	sadd.s32 $0xFFFFFFFF, s1;
	s3 =	spop (v2sf)  }
0x840: {  	p2 =	sne.s32 s1, $0x0;
	p1 =	sgt.u32 s3, $0x80076  }
.Ltmp45:
0x841: {  	s4 =	sand.u32 @!p1 $0xFFFF8, s3;
	(pc) =	sbr.rel @!p2 .LBB2_56-.Ltmp45, $4  }
0x842: {  	s2 =	simm.s32 $0xBF78;
	s3 =	sand.u32 @!p1 $0x7, s3;
	s4 =	sadd.s32 @!p1 s6, s4  }
0x843: {  	[hbm4b:s4+s3] =	stream.linear.scatter @!p1 [tilespmem:s2], [sflag:$0x7], $0x50, $0x38;
	[tilespmem:$0x1FF78] =	vst v63  }
0x844: {  	s4 =	simm.s32 $0x0  }
0x845: {  	s3 =	simm.s32 $0xBF59;
	s4 =	simm.s32 @!p1 $0x140  }
.LBB2_55:
0x846: {  	v0 =	vld.msk [tilespmem:s3+$0x0], $0x1;
	s1 =	sadd.s32 $0xFFFFFFFF, s1;
	s0 =	sadd.s32 s0, s4  }
0x847: {  	p1 =	sne.s32 s1, $0x0;
	_ =	sdelay $0x3  }
0x848: {  	(v2sf) =	vpush v0, $0x0;
	_ =	sdelay $0xe  }
.Ltmp46:
0x849: {  	s5 =	spop (v2sf);
	(pc) =	sbr.rel @p1 .LBB2_55-.Ltmp46, $4  }
0x84a: {  	s4 =	simm.s32 $0x0;
	p2 =	sgt.u32 s5, $0x80076  }
0x84b: {  	s2 =	sadd.s32 $0x50, s2;
	s4 =	simm.s32 @!p2 $0x140;
	s7 =	sand.u32 @!p2 $0xFFFF8, s5  }
0x84c: {  	s3 =	sadd.s32 $0x1, s3;
	s5 =	sand.u32 @!p2 $0x7, s5;
	s7 =	sadd.s32 @!p2 s6, s7  }
0x84d: {  	[hbm4b:s7+s5] =	stream.linear.scatter @!p2 [tilespmem:s2], [sflag:$0x7], $0x50, $0x38;
	[tilespmem:$0x1FF78] =	vst v63  }
.LBB2_56:
0x84e: {  	s0 =	sadd.s32 s0, s4  }
0x84f: {  	s0 =	sshrl.u32 s0, $0x2  }
.LBB2_57:
0x850: {  	s1 =	simm.s32 $0x7  }
0x851: {  	_ =	swait.ge [sflag:s1], s0  }
0x852: {  	s31 =	ssub.s32 $0x0, s0;
	[sflag:s1] =	ssyncset.done $0x0  }
0x853: {  	[sflag:s1] =	ssyncadd.s32 s31  }
0x854: {  	[sflag:s1] =	ssyncpa.u1 $0x1  }
.LBB2_58:
0x855: {  	_ =	sfence;
	s0 =	simm.s32 $0x1  }
0x856: {  	[sflag:s0] =	ssyncpa.u1 $0x1  }
0x857: {  	_ =	strace $0x9000004A  }
0x858: {  	[bflag:$0x2] =	sbarrier.arrive $0xFFFF  }
0x859: {  	s0 =	rddreg [dreg:$0x4]  }
0x85a: {  	s0 =	sadd.s32 @!p0 $0x100000, s0  }
0x85b: {  	[sflag:s0] =	ssyncadd.tile.s32 @!p0 $0x1;
	_ =	shalt  }
.Lfunc_end2:
_tile_overlayer_lowered:
.L_overlay_start_2:
0x85c: {  	(tag) =	ssettag $0x2  }
0x85d: {  	s0 =	rddreg [dreg:$0x0];
	s2 =	stileid.u32  }
0x85e: {  	s1 =	rddreg [dreg:$0x1];
	p0 =	sne.s32 s2, $0x0  }
0x85f: {  	s3 =	rddreg [dreg:$0x2];
	[bflag:$0x3] =	sbarrier.arrive $0xFFFF;
	s2 =	simm.s32 @!p0 $0x1C01  }
0x860: {  	[timem:s3], [sflag:s2] =	dma.local @!p0 [hbm:s0], s1  }
0x861: {  	s0 =	simm.s32 @!p0 $0x1  }
0x862: {  	_ =	swait.ge @!p0 [sflag:s0], s1  }
0x863: {  	s1 =	ssub.s32 @!p0 $0x0, s1;
	[sflag:s0] =	ssyncset.done @!p0 $0x0  }
0x864: {  	[sflag:s0] =	ssyncadd.s32 @!p0 s1  }
0x865: {  	[bflag:$0x3] =	sbarrier.arrive $0xFFFF  }
0x866: {  	_ =	shalt  }

// kernel: sparse-core-data-format-call.cloned.1.call-start
scs
called_computation.1_lowered:
.L_overlay_start_0:
0x0: {  	s1 =	sld [smem:$0x3FD9]  }
0x1: {  	s2 =	sld [smem:$0x3FFE];
	_ =	sdelay $0x1  }
0x2: {  	s3 =	srdreg.scid  }
0x3: {  	s0 =	sand.u32 $0x1, s3  }
0x4: {  	s17 =	sshll.u32 s0, $0xA;
	s1 =	sadd.s32 s2, s1  }
0x5: {  	s1 =	sadd.s32 s1, s17  }
0x6: {  	[smem:$0x3FC2] =	sst s1  }
0x7: {  	_ = 	snop  }
0x8: {  	(tm) =	ssettm $0x1  }
0x9: {  	s18 =	sld [smem:$0x3FFB];
	_ =	sdelay $0x3  }
0xa: {  	_ =	strace s18  }
0xb: {  	s1 =	sld [smem:$0x3FFC];
	_ =	sdelay $0x3  }
0xc: {  	_ =	strace s1  }
0xd: {  	s1 =	sld [smem:$0x3FFD];
	_ =	sdelay $0x3  }
0xe: {  	_ =	strace s1  }
0xf: {  	_ =	strace $0x8FFFFFFF  }
0x10: {  	s19 =	sld [smem:$0x3FDB];
	_ =	sdelay $0x1  }
0x11: {  	s20 =	simm.s32 $_scs_section_size  }
0x12: {  	s4 =	simm.s32 $_size__tile_overlayer_lowered;
	s5 =	simm.s32 $_tile_overlayer_lowered  }
0x13: {  	s23 =	simm.s32 $0x1BFF;
	s22 =	sshll.u32 s5, $0x1;
	s1 =	sadd.s32 s20, s19  }
0x14: {  	s6 =	simm.s32 $0x0;
	s21 =	sshll.u32 s4, $0x1;
	s4 =	sadd.s32 s22, s1  }
0x15: {  	[timem:s6], [sflag:s23] =	dma.local [hbm:s4], s21  }
0x16: {  	_ =	swait.ge [sflag:s23], s21  }
0x17: {  	s2 =	ssub.s32 $0x0, s21;
	[sflag:s23] =	ssyncset.done $0x0  }
0x18: {  	[sflag:s23] =	ssyncadd.s32 s2;
	_ =	sdelay $0x1  }
0x19: {  	s24 =	simm.s32 $0x1B8B  }
0x1a: {  	_ =	swait.ge [sflag:s24], $0x1  }
0x1b: {  	[sflag:s24] =	ssyncset.done $0x0  }
0x1c: {  	s26 =	simm.s32 $0x1B8E;
	s25 =	sld [smem:$0x3FFE];
	[sflag:s24] =	ssyncadd.s32 $0xFFFFFFFF  }
0x1d: {  	s27 =	simm.s32 $execute0_lowered;
	[smem:$0x3FD2] =	sst s26  }
0x1e: {  	s4 =	sshll.u32 s27, $0x1;
	_ =	strace $0x80000046;
	[dreg:$0x1] =	wrdreg $0xFFFFFFFF  }
0x1f: {  	s28 =	simm.s32 $_size_execute0_lowered;
	s1 =	sadd.s32 s1, s4;
	[dreg:$0x0] =	wrdreg $0x0  }
0x20: {  	s4 =	sshll.u32 s28, $0x1;
	[dreg:$0x2] =	wrdreg s1  }
0x21: {  	[dreg:$0x3] =	wrdreg s4  }
0x22: {  	[dreg:$0x4] =	wrdreg $0xC0  }
0x23: {  	_ =	task [dreg:s6], $0x5FFFF  }
0x24: {  	[dreg:$0x1] =	wrdreg $0xFFFFFFFF  }
0x25: {  	[dreg:$0x0] =	wrdreg $0x60  }
0x26: {  	[dreg:$0x2] =	wrdreg s25  }
0x27: {  	[dreg:$0x3] =	wrdreg $0x9  }
0x28: {  	_ =	task.clear_ibuf [dreg:s6], $0x4FFFF;
	_ =	strace $0x90000046  }
0x29: {  	s29 =	simm.s32 $0x9;
	_ =	strace $0x80000048  }
0x2a: {  	_ =	swait.ge [sflag:s29], $0x1  }
0x2b: {  	[sflag:s29] =	ssyncadd.s32 $0xFFFFFFFF  }
0x2c: {  	_ =	strace $0x90000048  }
0x2d: {  	_ =	sfence  }
0x2e: {  	s30 =	sld [smem:$0x0];
	_ =	sdelay $0x2  }
0x2f: {  	s31 =	sshll.u32 s3, $0xD;
	s3 =	sshrl.u32 s3, $0x2  }
0x30: {  	s2 =	sand.u32 $0x4000, s31;
	s1 =	sadd.s32 s3, s30  }
0x31: {  	s0 =	sor.u32 s2, s0;
	s1 =	sshll.u32 s1, $0x11  }
0x32: {  	s0 =	sor.u32 s1, s0  }
0x33: {  	s0 =	sadd.s32 $0x8F2B, s0  }
0x34: {  	[sflag:s0] =	ssyncadd.remote.s32 $0x1  }
0x35: {  	_ =	sfence.sel $0xFFFF  }
0x36: {  	[dreg:$0x0] =	wrdreg $0xFFFFFFFF;
	(pc) =	sbr.abs _section_cstart, $3  }
0x37: {  	[dreg:$0x1] =	wrdreg $0xFFFFFFFF  }
0x38: {  	_ =	task.clear_ibuf [dreg:s6], $0x2FFFF;
	_ =	strace $0x9FFFFFFF  }
0x39: {  	(tm) =	ssettm $0x7FFFFFFF  }
tec
execute0_lowered:
.L_overlay_start_1:
0x0: {  	(tag) =	ssettag $0x1  }
0x1: {  	s0 =	srdreg.scid  }
0x2: {  	s1 =	sshll.u32 s0, $0x4  }
0x3: {  	s2 =	rddreg [dreg:$0x0];
	s0 =	stileid.u32;
	s1 =	sand.u32 $0x10, s1  }
0x4: {  	s4 =	simm.s32 $0x1;
	s7 =	simm.s32 $0x2;
	s1 =	sor.u32 s0, s1  }
0x5: {  	s12 =	simm.s32 $0x0;
	s11 =	simm.s32 $0x0;
	s3 =	sshll.u32 s1, $0x7  }
0x6: {  	s9 =	simm.s32 $0x0;
	s10 =	simm.s32 $0x0;
	s5 =	ssub.s32 $0x79B00, s3  }
.Ltmp0:
0x7: {  	s1 =	rddreg [dreg:$0x1];
	s6 =	sand.u32 $0xF80, s5;
	(pc) =	sbr.rel .LBB1_1-.Ltmp0, $4  }
0x8: {  	_ =	strace $0x80000047;
	p0 =	sne.s32 s6, $0x0;
	s6 =	simm.s32 $0x1  }
0x9: {  	[sflag:s4] =	ssyncpa.u1 $0x0;
	s8 =	sshrl.u32 s5, $0xC;
	s6 =	simm.s32 @!p0 $0x0  }
0xa: {  	s5 =	sadd.s32 $0xA71000, s2;
	[sflag:s7] =	ssyncpa.u1 $0x0;
	s6 =	sadd.s32 s6, s8  }
0xb: {  	p0 =	por $0x0, $0x0;
	s8 =	smov.u32 s3;
	s7 =	sadd.s32 $0x1, s6  }
.LBB1_4:
0xc: {  	s12 =	sshll.u32 s12, $0x7;
	s18 =	sshll.u32 s11, $0x3  }
0xd: {  	v5 =	vld [tilespmem:s16+$0xFFFFFFD0];
	[tilespmem:s15+$0x2040 ss:$0x81] =	vst.msk $0xffff, v4;
	s19 =	sand.u32 $0xFFFFFC00, s12;
	s18 =	sand.u32 $0xFFFFFC00, s18  }
0xe: {  	v58 =	vld [tilespmem:s16+$0xFFFFFFE0];
	[tilespmem:s15+$0x2850 ss:$0x81] =	vst.msk $0xffff, v3;
	s12 =	sand.u32 $0x380, s12;
	s18 =	sadd.s32 s18, s19  }
0xf: {  	s17 =	sshra.s32 s17, $0x2;
	v59 =	vld [tilespmem:s16+$0xFFFFFFF0];
	[tilespmem:s15+$0x3060 ss:$0x81] =	vst.msk $0xffff, v2;
	s12 =	sor.u32 s12, s18  }
0x10: {  	v60 =	vld [tilespmem:s16+$0x0];
	[tilespmem:s15+$0x0 ss:$0x81] =	vst.msk $0xffff, v0;
	s14 =	sadd.s32 s17, s14;
	s12 =	sshrl.u32 s12, $0x7  }
0x11: {  	v61 =	vld [tilespmem:s16+$0x10];
	[tilespmem:s14+$0x3870 ss:$0x81] =	vst.msk $0xffff, v1;
	s28 =	smulhi.u32 $0x10D47A9, s12  }
0x12: {  	v62 =	vld [tilespmem:s16+$0x20];
	[tilespmem:s14+$0x810 ss:$0x81] =	vst.msk $0xffff, v5  }
0x13: {  	v63 =	vld [tilespmem:s16+$0xFFFFFFC0];
	[tilespmem:s14+$0x1020 ss:$0x81] =	vst.msk $0xffff, v58;
	s15 =	sshrl.u32 s28, $0xB  }
0x14: {  	[tilespmem:s14+$0x1830 ss:$0x81] =	vst.msk $0xffff, v59;
	s15 =	smul.u32 $0x79B00, s15  }
0x15: {  	s29 =	sshrl.u32 s11, $0x3;
	[tilespmem:s14+$0x2040 ss:$0x81] =	vst.msk $0xffff, v60  }
0x16: {  	s30 =	sand.u32 $0xF, s29;
	[tilespmem:s14+$0x2850 ss:$0x81] =	vst.msk $0xffff, v61;
	s12 =	ssub.s32 s12, s15  }
0x17: {  	[tilespmem:s14+$0x3060 ss:$0x81] =	vst.msk $0xffff, v62;
	s15 =	sadd.s32 s2, s30;
	s12 =	sshll.u32 s12, $0x4  }
0x18: {  	s31 =	sand.u32 $0x7, s11;
	[tilespmem:s14+$0x0 ss:$0x81] =	vst.msk $0xffff, v63;
	s12 =	sadd.s32 s12, s15  }
0x19: {  	[hbm4b:s12+s31] =	stream.linear.scatter [tilespmem:s13], [sflag:$0x2], $0x4000, $0x20;
	[tilespmem:$0x10100] =	vst v63  }
.LBB1_5:
0x1a: {  	s13 =	sadd.s32 $0x1000, s8  }
0x1b: {  	s11 =	sadd.s32 $0x80, s9;
	s15 =	smov.u32 s9;
	p2 =	sgt.s32 s13, $0x79AFF  }
0x1c: {  	s15 =	smov.u32 @p2 s11  }
0x1d: {  	s13 =	smov.u32 @p2 s3;
	p2 =	sgt.s32 s15, $0x4F  }
0x1e: {  	s15 =	simm.s32 @p2 $0x0;
	p2 =	sne.s32 s10, s7  }
.Ltmp1:
0x1f: {  	p1 =	slt.u32 s10, $0x2;
	(pc) =	sbr.rel @!p2 .LBB1_6-.Ltmp1, $4  }
0x20: {  	s14 =	simm.s32 @!p1 $0x2  }
0x21: {  	s12 =	smov.u32 s8;
	p0 =	por !p0, !p0;
	_ =	swait.ge @!p1 [sflag:s14], $0x4000  }
0x22: {  	s11 =	smov.u32 s9;
	[sflag:s14] =	ssyncset.done @!p1 $0x0;
	s8 =	smov.u32 s13  }
0x23: {  	s10 =	sadd.s32 $0x1, s10;
	[sflag:s14] =	ssyncadd.s32 @!p1 $0xFFFFC000;
	s9 =	smov.u32 s15  }
.LBB1_1:
0x24: {  	p1 =	sge.u32 s10, s6  }
0x25: {  	s13 =	sshrl.u32 @!p1 s9, $0x3  }
0x26: {  	s14 =	sshll.u32 @!p1 s8, $0x3;
	s13 =	smul.u32 @!p1 $0x3CD800, s13  }
0x27: {  	s15 =	sshll.u32 @!p1 s9, $0x7;
	s14 =	sand.u32 @!p1 $0xFFFFFC00, s14  }
0x28: {  	s18 =	smov.u32 s8;
	s13 =	sadd.s32 @!p1 s13, s14;
	s14 =	sand.u32 @!p1 $0x380, s15  }
0x29: {  	s31 =	sadd.s32 $0xFFFFFFFF, s10;
	s16 =	sand.u32 @!p1 $0x7F, s8;
	s13 =	sor.u32 @!p1 s14, s13  }
0x2a: {  	p2 =	sgt.s32 @!p1 s9, $0xFFFFFFD0;
	s17 =	sshra.s32 @!p1 s9, $0x1F;
	s14 =	smulhi.u32 @!p1 $0x86A3D459, s13  }
0x2b: {  	s19 =	sshra.s32 @!p1 s8, $0x1F;
	p2 =	por !p2, p1;
	s17 =	sand.u32 @!p1 s17, s9  }
0x2c: {  	s13 =	sor.u32 @!p1 s16, s13;
	s16 =	smov.u32 s9;
	s14 =	sshrl.u32 @!p1 s14, $0x12  }
0x2d: {  	s16 =	simm.s32 @p2 $0xFFFFFFD0;
	p2 =	sgt.s32 @!p1 s8, $0x79A80;
	s15 =	smul.u32 @!p1 $0xCCD, s14  }
0x2e: {  	p2 =	por !p2, p1;
	s16 =	ssub.s32 @!p1 s16, s17;
	s17 =	sand.u32 @!p1 s19, s8  }
0x2f: {  	s19 =	smulhi.u32 @!p1 $0x86A3D459, s13;
	s18 =	simm.s32 @p2 $0x79A80;
	s15 =	sshrl.u32 @!p1 s15, $0x12  }
0x30: {  	s17 =	ssub.s32 @!p1 s18, s17;
	s18 =	sadd.s32 @!p1 $0x30, s16;
	s15 =	smul.u32 @!p1 $0x50, s15  }
0x31: {  	s16 =	ssub.s32 @!p1 $0x50, s16;
	p2 =	sgt.s32 @!p1 s18, $0x7F;
	s18 =	sshrl.u32 @!p1 s19, $0x12  }
0x32: {  	p2 =	por !p2, p1;
	s14 =	ssub.s32 @!p1 s14, s15;
	s15 =	sadd.s32 @!p1 $0xFFF86580, s17  }
0x33: {  	s18 =	smul.u32 @!p1 $0x79B00, s18;
	s16 =	simm.s32 @!p2 $0x0;
	p3 =	sgt.s32 @!p1 s15, $0x7F  }
0x34: {  	s17 =	ssub.s32 @!p1 $0x79B00, s17;
	s14 =	sand.u32 @!p1 $0xFFFF, s14;
	p3 =	por !p3, p1  }
0x35: {  	s15 =	sxor.u32 @!p1 $0xFFFFFFFF, s10;
	s14 =	smul.u32 @!p1 $0xF360, s14;
	s17 =	simm.s32 @!p3 $0x0  }
0x36: {  	s13 =	ssub.s32 @!p1 s13, s18;
	s15 =	sshll.u32 @!p1 s15, $0xE;
	s16 =	smul.u32 @!p1 s16, s17  }
0x37: {  	s15 =	sand.u32 @!p1 $0x4000, s15;
	s17 =	sshrl.u32 @!p1 s13, $0x3;
	s13 =	sand.u32 @!p1 $0x7, s13  }
0x38: {  	s17 =	sadd.s32 @!p1 s5, s17;
	s13 =	sshll.u32 @!p1 s13, $0x12;
	s16 =	sand.u32 @!p1 $0x3FFFFFFF, s16  }
0x39: {  	s14 =	sadd.s32 @!p1 s14, s17;
	s13 =	sor.u32 @!p1 $0x400, s13;
	s17 =	simm.s32 @!p1 $0x3CD800  }
0x3a: {  	[tilespmem:s15], [sflag:$0x1] =	stream.strided.gather @!p1 [hbm4b:s14+s13], s16, s17, s13, $0x38;
	[tilespmem:$0x10100] =	vst v63  }
0x3b: {  	p1 =	sge.u32 s31, s6  }
.Ltmp2:
0x3c: {  	_ = 	snop;
	(pc) =	sbr.rel @p1 .LBB1_5-.Ltmp2, $1  }
0x3d: {  	_ =	sdelay $0x3  }
0x3e: {  	p1 =	sgt.s32 s11, $0xFFFFFFD0  }
0x3f: {  	s13 =	smov.u32 s11;
	s14 =	sshra.s32 s11, $0x1F;
	s15 =	smov.u32 s12  }
0x40: {  	s16 =	sshra.s32 s12, $0x1F;
	s13 =	simm.s32 @!p1 $0xFFFFFFD0;
	p1 =	sgt.s32 s12, $0x79A80  }
0x41: {  	s14 =	sand.u32 s14, s11;
	s26 =	sand.u32 s16, s12;
	s15 =	simm.s32 @!p1 $0x79A80  }
0x42: {  	s13 =	ssub.s32 s13, s14;
	s14 =	ssub.s32 s15, s26  }
0x43: {  	s27 =	sadd.s32 $0x30, s13;
	s13 =	ssub.s32 $0x50, s13;
	s15 =	sadd.s32 $0xFFF86580, s14  }
0x44: {  	p1 =	sgt.s32 s27, $0x7F;
	s14 =	ssub.s32 $0x79B00, s14;
	p2 =	sgt.s32 s15, $0x7F  }
0x45: {  	s13 =	simm.s32 @p1 $0x0;
	s14 =	simm.s32 @p2 $0x0  }
0x46: {  	s13 =	smul.u32 s13, s14;
	_ =	sdelay $0x1  }
0x47: {  	s14 =	simm.s32 $0x1;
	s13 =	sand.u32 $0x3FFFFFFF, s13  }
0x48: {  	s14 =	simm.s32 @!p0 $0x0;
	_ =	swait.ge [sflag:s4], s13  }
0x49: {  	s28 =	sshll.u32 s14, $0xE;
	s13 =	ssub.s32 $0x0, s13;
	[sflag:s4] =	ssyncset.done $0x0  }
0x4a: {  	s29 =	sor.u32 $0x40, s28;
	[sflag:s4] =	ssyncadd.s32 s13  }
0x4b: {  	s30 =	smul.u32 $0x10200, s14;
	v0 =	vld [tilespmem:s29+$0x30]  }
0x4c: {  	v1 =	vld [tilespmem:s29+$0xFFFFFFD0]  }
0x4d: {  	s13 =	sshrl.u32 s30, $0x2;
	v5 =	vld [tilespmem:s29+$0xFFFFFFE0]  }
0x4e: {  	s14 =	sor.u32 $0x8000, s13;
	v6 =	vld [tilespmem:s29+$0xFFFFFFF0]  }
0x4f: {  	s31 =	sand.u32 $0x1, s10;
	v4 =	vld [tilespmem:s29+$0x0];
	s15 =	sadd.s32 $0x0, s14  }
0x50: {  	s13 =	smul.u32 $0x10200, s31;
	v3 =	vld [tilespmem:s29+$0x10];
	[tilespmem:s15+$0x3870 ss:$0x81] =	vst.msk $0xffff, v0  }
0x51: {  	v2 =	vld [tilespmem:s29+$0x20];
	[tilespmem:s15+$0x810 ss:$0x81] =	vst.msk $0xffff, v1  }
0x52: {  	s16 =	sadd.s32 $0x80, s29;
	s13 =	sshrl.u32 s13, $0x2;
	v0 =	vld [tilespmem:s29+$0xFFFFFFC0];
	[tilespmem:s15+$0x1020 ss:$0x81] =	vst.msk $0xffff, v5  }
0x53: {  	s17 =	simm.s32 $0x4;
	s18 =	simm.s32 $0x8;
	s13 =	sor.u32 $0x8000, s13;
	v1 =	vld [tilespmem:s16+$0x30];
	[tilespmem:s15+$0x1830 ss:$0x81] =	vst.msk $0xffff, v6  }
.LBB1_3:
0x54: {  	p1 =	sne.s32 s18, $0x1FC;
	v5 =	vld [tilespmem:s16+$0xFFFFFFD0];
	[tilespmem:s15+$0x2040 ss:$0x81] =	vst.msk $0xffff, v4  }
0x55: {  	v6 =	vld [tilespmem:s16+$0xFFFFFFE0];
	[tilespmem:s15+$0x2850 ss:$0x81] =	vst.msk $0xffff, v3  }
0x56: {  	s19 =	sshra.s32 s17, $0x2;
	s17 =	smov.u32 s18;
	v7 =	vld [tilespmem:s16+$0xFFFFFFF0];
	[tilespmem:s15+$0x3060 ss:$0x81] =	vst.msk $0xffff, v2  }
.Ltmp3:
0x57: {  	v4 =	vld [tilespmem:s16+$0x0];
	[tilespmem:s15+$0x0 ss:$0x81] =	vst.msk $0xffff, v0;
	s15 =	sadd.s32 s19, s14;
	(pc) =	sbr.rel @p1 .LBB1_3-.Ltmp3, $4  }
0x58: {  	v3 =	vld [tilespmem:s16+$0x10];
	[tilespmem:s15+$0x3870 ss:$0x81] =	vst.msk $0xffff, v1  }
0x59: {  	[tilespmem:s15+$0x810 ss:$0x81] =	vst.msk $0xffff, v5;
	v2 =	vld [tilespmem:s16+$0x20]  }
0x5a: {  	v0 =	vld [tilespmem:s16+$0xFFFFFFC0];
	[tilespmem:s15+$0x1020 ss:$0x81] =	vst.msk $0xffff, v6;
	s16 =	sadd.s32 $0x80, s16  }
0x5b: {  	s18 =	sadd.s32 $0x4, s18;
	v1 =	vld [tilespmem:s16+$0x30];
	[tilespmem:s15+$0x1830 ss:$0x81] =	vst.msk $0xffff, v7  }
.Ltmp4:
0x5c: {  	_ = 	snop;
	(pc) =	sbr.rel .LBB1_4-.Ltmp4, $1  }
0x5d: {  	_ =	sdelay $0x3  }
.LBB1_6:
0x5e: {  	_ =	sfence.sel $0x180000  }
0x5f: {  	s2 =	simm.s32 $0x1;
	[bflag:$0x0] =	sbarrier.arrive $0xFFFF  }
0x60: {  	s31 =	simm.s32 $0x2;
	[sflag:s2] =	ssyncpa.u1 $0x1  }
0x61: {  	[sflag:s31] =	ssyncpa.u1 $0x1  }
0x62: {  	p0 =	sne.s32 s0, $0x0;
	_ =	strace $0x90000047  }
0x63: {  	s0 =	sadd.s32 @!p0 $0x100000, s1;
	[bflag:$0x2] =	sbarrier.arrive $0xFFFF  }
0x64: {  	[sflag:s0] =	ssyncadd.tile.s32 @!p0 $0x1;
	_ =	shalt  }
.Lfunc_end1:
_tile_overlayer_lowered:
.L_overlay_start_2:
0x65: {  	(tag) =	ssettag $0x2  }
0x66: {  	s0 =	rddreg [dreg:$0x0];
	s2 =	stileid.u32  }
0x67: {  	s1 =	rddreg [dreg:$0x1];
	p0 =	sne.s32 s2, $0x0  }
0x68: {  	s3 =	rddreg [dreg:$0x2];
	[bflag:$0x3] =	sbarrier.arrive $0xFFFF;
	s2 =	simm.s32 @!p0 $0x1C01  }
0x69: {  	[timem:s3], [sflag:s2] =	dma.local @!p0 [hbm:s0], s1  }
0x6a: {  	s0 =	simm.s32 @!p0 $0x1  }
0x6b: {  	_ =	swait.ge @!p0 [sflag:s0], s1  }
0x6c: {  	s1 =	ssub.s32 @!p0 $0x0, s1;
	[sflag:s0] =	ssyncset.done @!p0 $0x0  }
0x6d: {  	[sflag:s0] =	ssyncadd.s32 @!p0 s1  }
0x6e: {  	[bflag:$0x3] =	sbarrier.arrive $0xFFFF  }
0x6f: {  	_ =	shalt  }

</sc_bundles>
